<compile_context>
chip_gen: v7x
topology: tpu7x:2x2x1
jax: 0.10.2.dev20260603
libtpu: 0.0.44.dev20260713+nightly
codegen_flags: <defaults>
</compile_context>

<pallas_src>
import functools

import jax
import jax.numpy as jnp
from jax import lax
from jax.experimental import pallas as pl
from jax.experimental.pallas import tpu as pltpu
from jax.experimental.pallas import tpu_sc as plsc

VOCAB = 100000
EMBED = 128
B, L = 4096, 200

NUM_CORES = 2
NUM_SUBCORES = 16
NW = NUM_CORES * NUM_SUBCORES
TOTAL = B * L
PER_W = TOTAL // NW
CHUNK = 128
N_CHUNK = PER_W // CHUNK

NBUF = 6
AHEAD = 3


def _make_gather():
    mesh = plsc.VectorSubcoreMesh(core_axis_name="c", subcore_axis_name="s")

    @functools.partial(
        pl.kernel,
        mesh=mesh,
        out_type=jax.ShapeDtypeStruct((TOTAL, EMBED), jnp.float32),
        scratch_types=[
            pltpu.VMEM((N_CHUNK, CHUNK), jnp.int32),
            pltpu.VMEM((NBUF, CHUNK, EMBED), jnp.float32),
        ] + [pltpu.SemaphoreType.DMA] * (2 * NBUF),
    )
    def gather_kernel(table_hbm, idx_hbm, out_hbm, idx_v, rows_v, *sems):
        gsem = sems[:NBUF]
        osem = sems[NBUF:]
        wid = lax.axis_index("s") * NUM_CORES + lax.axis_index("c")
        pltpu.sync_copy(idx_hbm.at[pl.ds(wid * N_CHUNK, N_CHUNK)], idx_v)
        row_base = wid * PER_W

        def g_start(c, b):
            pltpu.async_copy(table_hbm.at[idx_v.at[c]], rows_v.at[b], gsem[b])

        def g_wait(b):
            pltpu.make_async_copy(table_hbm.at[pl.ds(0, CHUNK)],
                                  rows_v.at[b], gsem[b]).wait()

        def o_start(c, b):
            pltpu.async_copy(rows_v.at[b],
                             out_hbm.at[pl.ds(row_base + c * CHUNK, CHUNK)],
                             osem[b])

        def o_wait(b):
            pltpu.make_async_copy(rows_v.at[b], out_hbm.at[pl.ds(0, CHUNK)],
                                  osem[b]).wait()

        def visit(c, b, do_owait, do_gstart):
            g_wait(b)
            o_start(c, b)
            if do_gstart:
                if do_owait:
                    o_wait((b + AHEAD) % NBUF)
                g_start(c + AHEAD, (b + AHEAD) % NBUF)

        for c in range(AHEAD):
            g_start(c, c)
        for c in range(NBUF - AHEAD):
            visit(c, c, do_owait=False, do_gstart=True)

        start = NBUF - AHEAD
        n_steady = (N_CHUNK - AHEAD - start) // NBUF

        def body(t, carry):
            for k in range(NBUF):
                b = (start + k) % NBUF
                visit(NBUF * t + start + k, b, do_owait=True, do_gstart=True)
            return carry

        lax.fori_loop(0, n_steady, body, 0)

        for c in range(start + n_steady * NBUF, N_CHUNK):
            visit(c, c % NBUF, do_owait=True, do_gstart=(c + AHEAD < N_CHUNK))
        for c in range(N_CHUNK - NBUF, N_CHUNK):
            o_wait(c % NBUF)

    return gather_kernel


_gather = _make_gather()


def kernel(input_ids, token_type_ids, word_embeddings, position_embeddings,
           token_type_embeddings):
    idx = input_ids.reshape(NW * N_CHUNK, CHUNK).astype(jnp.int32)
    out = _gather(word_embeddings, idx)
    return out.reshape(B, L, EMBED)

# --- scband reference (transcript-rebuilt; emitter-appended) ---
"""Pipeline reference for scband-bert-embeddings-9990093930734 (READ-ONLY COPY).

The authoritative reference and input builder live on the scoring server;
editing this copy changes nothing except your own understanding.
"""

import jax, jax.numpy as jnp
import numpy as np

VOCAB = 100000
EMBED = 128
MAX_POS = 512
TYPE_VOCAB = 2
B, L = 4096, 200


def setup_inputs(seed: int = 0) -> dict:
    key = jax.random.key(seed)
    k1, k2, k3, k4, k5 = jax.random.split(key, 5)
    input_ids = jax.random.randint(k1, (B, L), 0, VOCAB, dtype=jnp.int64 if jax.config.jax_enable_x64 else jnp.int32)
    token_type_ids = jax.random.randint(k2, (B, L), 0, TYPE_VOCAB, dtype=input_ids.dtype)
    word_embeddings = jax.random.normal(k3, (VOCAB, EMBED), dtype=jnp.float32) * 0.02
    # padding_idx=0: torch zeroes row 0 at init
    word_embeddings = word_embeddings.at[0].set(0.0)
    position_embeddings = jax.random.normal(k4, (MAX_POS, EMBED), dtype=jnp.float32) * 0.02
    token_type_embeddings = jax.random.normal(k5, (TYPE_VOCAB, EMBED), dtype=jnp.float32) * 0.02
    return {
        "input_ids": input_ids,
        "token_type_ids": token_type_ids,
        "word_embeddings": word_embeddings,
        "position_embeddings": position_embeddings,
        "token_type_embeddings": token_type_embeddings,
    }


def reference(input_ids, token_type_ids, word_embeddings, position_embeddings, token_type_embeddings):
    seq_length = input_ids.shape[1]
    position_ids = jnp.arange(seq_length, dtype=input_ids.dtype)
    position_ids = jnp.broadcast_to(position_ids[None, :], input_ids.shape)
    words_embeddings = jnp.take(word_embeddings, input_ids, axis=0)
    pos_embeddings = jnp.take(position_embeddings, position_ids, axis=0)
    tok_embeddings = jnp.take(token_type_embeddings, token_type_ids, axis=0)
    # The original module computes position/token_type embeddings but only
    # returns the word embeddings.
    embeddings = words_embeddings
    return embeddings

if __name__ == "__main__":
    import jax
    _d = setup_inputs()
    print(jax.jit(kernel)(*tuple(_d.values())))

</pallas_src>

<mosaic_0001>
#map = affine_map<(d0, d1) -> (0, 0)>
module attributes {stable_mosaic.version = 14 : i64} {
  func.func @gather_kernel(%arg0: i32, %arg1: i32, %arg2: memref<100000x128xf32, #tpu.memory_space<hbm>>, %arg3: memref<6400x128xi32, #tpu.memory_space<hbm>>, %arg4: memref<819200x128xf32, #tpu.memory_space<hbm>>, %arg5: memref<200x128xi32, #tpu.memory_space<vmem>>, %arg6: memref<6x128x128xf32, #tpu.memory_space<vmem>>, %arg7: memref<!tpu.dma_semaphore, #tpu.memory_space<semaphore_mem>>, %arg8: memref<!tpu.dma_semaphore, #tpu.memory_space<semaphore_mem>>, %arg9: memref<!tpu.dma_semaphore, #tpu.memory_space<semaphore_mem>>, %arg10: memref<!tpu.dma_semaphore, #tpu.memory_space<semaphore_mem>>, %arg11: memref<!tpu.dma_semaphore, #tpu.memory_space<semaphore_mem>>, %arg12: memref<!tpu.dma_semaphore, #tpu.memory_space<semaphore_mem>>, %arg13: memref<!tpu.dma_semaphore, #tpu.memory_space<semaphore_mem>>, %arg14: memref<!tpu.dma_semaphore, #tpu.memory_space<semaphore_mem>>, %arg15: memref<!tpu.dma_semaphore, #tpu.memory_space<semaphore_mem>>, %arg16: memref<!tpu.dma_semaphore, #tpu.memory_space<semaphore_mem>>, %arg17: memref<!tpu.dma_semaphore, #tpu.memory_space<semaphore_mem>>, %arg18: memref<!tpu.dma_semaphore, #tpu.memory_space<semaphore_mem>>) attributes {dimension_semantics = [#tpu.dimension_semantics<core_parallel>, #tpu.dimension_semantics<subcore_parallel>], iteration_bounds = array<i64: 2, 16>, scalar_prefetch = 0 : i64, scratch_operands = 14 : i64, tpu.core_type = #tpu.core_type<sc_vector_subcore>, window_params = [{transform_indices = #map}, {transform_indices = #map}, {transform_indices = #map}]} {
    %mul3A = arith.constant 2 : i32
    %mul3A_0 = arith.muli %arg1, %mul3A : i32
    %add3A = arith.addi %mul3A_0, %arg0 : i32
    %mul3A_1 = arith.constant 200 : i32
    %mul3A_2 = arith.muli %add3A, %mul3A_1 : i32
    "tpu.region"() ({
      %run_scoped3A = tpu.sem_alloc : memref<!tpu.dma_semaphore, #tpu.memory_space<semaphore_mem>>
      %dma_start3A_464 = arith.constant 0 : i32
      %dma_start3A_465 = tpu.memref_slice %arg3[%mul3A_2, %dma_start3A_464] : memref<6400x128xi32, #tpu.memory_space<hbm>> -> memref<200x128xi32, #tpu.memory_space<hbm>>
      %dma_start3A_466 = arith.constant 0 : i32
      %dma_start3A_467 = tpu.memref_slice %arg3[%mul3A_2, %dma_start3A_466] : memref<6400x128xi32, #tpu.memory_space<hbm>> -> memref<200x128xi32, #tpu.memory_space<hbm>>
      tpu.enqueue_dma source(%dma_start3A_467 : memref<200x128xi32, #tpu.memory_space<hbm>>) target(%arg5 : memref<200x128xi32, #tpu.memory_space<vmem>>) target_semaphore(%run_scoped3A : memref<!tpu.dma_semaphore, #tpu.memory_space<semaphore_mem>>)
      %dma_wait3A_468 = arith.constant 0 : i32
      %dma_wait3A_469 = tpu.memref_slice %arg3[%mul3A_2, %dma_wait3A_468] : memref<6400x128xi32, #tpu.memory_space<hbm>> -> memref<200x128xi32, #tpu.memory_space<hbm>>
      %dma_wait3A_470 = arith.constant 0 : i32
      %dma_wait3A_471 = tpu.memref_slice %arg3[%mul3A_2, %dma_wait3A_470] : memref<6400x128xi32, #tpu.memory_space<hbm>> -> memref<200x128xi32, #tpu.memory_space<hbm>>
      tpu.wait_dma2 semaphore(%run_scoped3A : memref<!tpu.dma_semaphore, #tpu.memory_space<semaphore_mem>>) src(%dma_wait3A_471 : memref<200x128xi32, #tpu.memory_space<hbm>>) dst(%arg5 : memref<200x128xi32, #tpu.memory_space<vmem>>)
      tpu.yield
    }) : () -> ()
    %mul3A_3 = arith.constant 25600 : i32
    %mul3A_4 = arith.muli %add3A, %mul3A_3 : i32
    %dma_start3A = arith.constant 0 : i32
    %dma_start3A_5 = arith.constant 0 : i32
    %dma_start3A_6 = arith.constant 0 : i32
    %dma_start3A_7 = arith.constant 0 : i32
    %dma_start3A_8 = tpu.memref_slice %arg6[%dma_start3A_5, %dma_start3A_6, %dma_start3A_7] : memref<6x128x128xf32, #tpu.memory_space<vmem>> -> memref<1x128x128xf32, #tpu.memory_space<vmem>>
    %dma_start3A_9 = tpu.memref_squeeze %dma_start3A_8 : memref<1x128x128xf32, #tpu.memory_space<vmem>> -> memref<128x128xf32, #tpu.memory_space<vmem>>
    %dma_start3A_10 = arith.constant 0 : i32
    %dma_start3A_11 = tpu.memref_slice %arg5[%dma_start3A, %dma_start3A_10] : memref<200x128xi32, #tpu.memory_space<vmem>> -> memref<1x128xi32, #tpu.memory_space<vmem>>
    %dma_start3A_12 = tpu.memref_squeeze %dma_start3A_11 : memref<1x128xi32, #tpu.memory_space<vmem>> -> memref<128xi32, #tpu.memory_space<vmem>>
    %dma_start3A_13 = arith.constant 0 : i32
    %dma_start3A_14 = arith.constant 0 : i32
    %dma_start3A_15 = tpu.memref_slice %arg2[%dma_start3A_13, %dma_start3A_14] : memref<100000x128xf32, #tpu.memory_space<hbm>> -> memref<100000x128xf32, #tpu.memory_space<hbm>>
    tpu.enqueue_indirect_dma source(%dma_start3A_15 : memref<100000x128xf32, #tpu.memory_space<hbm>>) target(%dma_start3A_9 : memref<128x128xf32, #tpu.memory_space<vmem>>) offsets(%dma_start3A_12 : memref<128xi32, #tpu.memory_space<vmem>>) semaphore(%arg7 : memref<!tpu.dma_semaphore, #tpu.memory_space<semaphore_mem>>)
    %dma_start3A_16 = arith.constant 1 : i32
    %dma_start3A_17 = arith.constant 1 : i32
    %dma_start3A_18 = arith.constant 0 : i32
    %dma_start3A_19 = arith.constant 0 : i32
    %dma_start3A_20 = tpu.memref_slice %arg6[%dma_start3A_17, %dma_start3A_18, %dma_start3A_19] : memref<6x128x128xf32, #tpu.memory_space<vmem>> -> memref<1x128x128xf32, #tpu.memory_space<vmem>>
    %dma_start3A_21 = tpu.memref_squeeze %dma_start3A_20 : memref<1x128x128xf32, #tpu.memory_space<vmem>> -> memref<128x128xf32, #tpu.memory_space<vmem>>
    %dma_start3A_22 = arith.constant 0 : i32
    %dma_start3A_23 = tpu.memref_slice %arg5[%dma_start3A_16, %dma_start3A_22] : memref<200x128xi32, #tpu.memory_space<vmem>> -> memref<1x128xi32, #tpu.memory_space<vmem>>
    %dma_start3A_24 = tpu.memref_squeeze %dma_start3A_23 : memref<1x128xi32, #tpu.memory_space<vmem>> -> memref<128xi32, #tpu.memory_space<vmem>>
    %dma_start3A_25 = arith.constant 0 : i32
    %dma_start3A_26 = arith.constant 0 : i32
    %dma_start3A_27 = tpu.memref_slice %arg2[%dma_start3A_25, %dma_start3A_26] : memref<100000x128xf32, #tpu.memory_space<hbm>> -> memref<100000x128xf32, #tpu.memory_space<hbm>>
    tpu.enqueue_indirect_dma source(%dma_start3A_27 : memref<100000x128xf32, #tpu.memory_space<hbm>>) target(%dma_start3A_21 : memref<128x128xf32, #tpu.memory_space<vmem>>) offsets(%dma_start3A_24 : memref<128xi32, #tpu.memory_space<vmem>>) semaphore(%arg8 : memref<!tpu.dma_semaphore, #tpu.memory_space<semaphore_mem>>)
    %dma_start3A_28 = arith.constant 2 : i32
    %dma_start3A_29 = arith.constant 2 : i32
    %dma_start3A_30 = arith.constant 0 : i32
    %dma_start3A_31 = arith.constant 0 : i32
    %dma_start3A_32 = tpu.memref_slice %arg6[%dma_start3A_29, %dma_start3A_30, %dma_start3A_31] : memref<6x128x128xf32, #tpu.memory_space<vmem>> -> memref<1x128x128xf32, #tpu.memory_space<vmem>>
    %dma_start3A_33 = tpu.memref_squeeze %dma_start3A_32 : memref<1x128x128xf32, #tpu.memory_space<vmem>> -> memref<128x128xf32, #tpu.memory_space<vmem>>
    %dma_start3A_34 = arith.constant 0 : i32
    %dma_start3A_35 = tpu.memref_slice %arg5[%dma_start3A_28, %dma_start3A_34] : memref<200x128xi32, #tpu.memory_space<vmem>> -> memref<1x128xi32, #tpu.memory_space<vmem>>
    %dma_start3A_36 = tpu.memref_squeeze %dma_start3A_35 : memref<1x128xi32, #tpu.memory_space<vmem>> -> memref<128xi32, #tpu.memory_space<vmem>>
    %dma_start3A_37 = arith.constant 0 : i32
    %dma_start3A_38 = arith.constant 0 : i32
    %dma_start3A_39 = tpu.memref_slice %arg2[%dma_start3A_37, %dma_start3A_38] : memref<100000x128xf32, #tpu.memory_space<hbm>> -> memref<100000x128xf32, #tpu.memory_space<hbm>>
    tpu.enqueue_indirect_dma source(%dma_start3A_39 : memref<100000x128xf32, #tpu.memory_space<hbm>>) target(%dma_start3A_33 : memref<128x128xf32, #tpu.memory_space<vmem>>) offsets(%dma_start3A_36 : memref<128xi32, #tpu.memory_space<vmem>>) semaphore(%arg9 : memref<!tpu.dma_semaphore, #tpu.memory_space<semaphore_mem>>)
    %dma_wait3A = arith.constant 0 : i32
    %dma_wait3A_40 = arith.constant 0 : i32
    %dma_wait3A_41 = arith.constant 0 : i32
    %dma_wait3A_42 = tpu.memref_slice %arg6[%dma_wait3A, %dma_wait3A_40, %dma_wait3A_41] : memref<6x128x128xf32, #tpu.memory_space<vmem>> -> memref<1x128x128xf32, #tpu.memory_space<vmem>>
    %dma_wait3A_43 = tpu.memref_squeeze %dma_wait3A_42 : memref<1x128x128xf32, #tpu.memory_space<vmem>> -> memref<128x128xf32, #tpu.memory_space<vmem>>
    %dma_wait3A_44 = arith.constant 0 : i32
    %dma_wait3A_45 = arith.constant 0 : i32
    %dma_wait3A_46 = tpu.memref_slice %arg2[%dma_wait3A_44, %dma_wait3A_45] : memref<100000x128xf32, #tpu.memory_space<hbm>> -> memref<128x128xf32, #tpu.memory_space<hbm>>
    %dma_wait3A_47 = arith.constant 0 : i32
    %dma_wait3A_48 = arith.constant 0 : i32
    %dma_wait3A_49 = tpu.memref_slice %arg6[%dma_wait3A, %dma_wait3A_47, %dma_wait3A_48] : memref<6x128x128xf32, #tpu.memory_space<vmem>> -> memref<1x128x128xf32, #tpu.memory_space<vmem>>
    %dma_wait3A_50 = tpu.memref_squeeze %dma_wait3A_49 : memref<1x128x128xf32, #tpu.memory_space<vmem>> -> memref<128x128xf32, #tpu.memory_space<vmem>>
    %dma_wait3A_51 = arith.constant 0 : i32
    %dma_wait3A_52 = arith.constant 0 : i32
    %dma_wait3A_53 = tpu.memref_slice %arg2[%dma_wait3A_51, %dma_wait3A_52] : memref<100000x128xf32, #tpu.memory_space<hbm>> -> memref<128x128xf32, #tpu.memory_space<hbm>>
    tpu.wait_dma2 semaphore(%arg7 : memref<!tpu.dma_semaphore, #tpu.memory_space<semaphore_mem>>) src(%dma_wait3A_53 : memref<128x128xf32, #tpu.memory_space<hbm>>) dst(%dma_wait3A_50 : memref<128x128xf32, #tpu.memory_space<vmem>>)
    %add3A_54 = arith.constant 0 : i32
    %add3A_55 = arith.addi %mul3A_4, %add3A_54 : i32
    %dma_start3A_56 = arith.constant 0 : i32
    %dma_start3A_57 = arith.constant 0 : i32
    %dma_start3A_58 = arith.constant 0 : i32
    %dma_start3A_59 = tpu.memref_slice %arg6[%dma_start3A_56, %dma_start3A_57, %dma_start3A_58] : memref<6x128x128xf32, #tpu.memory_space<vmem>> -> memref<1x128x128xf32, #tpu.memory_space<vmem>>
    %dma_start3A_60 = tpu.memref_squeeze %dma_start3A_59 : memref<1x128x128xf32, #tpu.memory_space<vmem>> -> memref<128x128xf32, #tpu.memory_space<vmem>>
    %dma_start3A_61 = arith.constant 0 : i32
    %dma_start3A_62 = tpu.memref_slice %arg4[%add3A_55, %dma_start3A_61] : memref<819200x128xf32, #tpu.memory_space<hbm>> -> memref<128x128xf32, #tpu.memory_space<hbm>>
    %dma_start3A_63 = arith.constant 0 : i32
    %dma_start3A_64 = tpu.memref_slice %arg4[%add3A_55, %dma_start3A_63] : memref<819200x128xf32, #tpu.memory_space<hbm>> -> memref<128x128xf32, #tpu.memory_space<hbm>>
    %dma_start3A_65 = arith.constant 0 : i32
    %dma_start3A_66 = arith.constant 0 : i32
    %dma_start3A_67 = tpu.memref_slice %arg6[%dma_start3A_56, %dma_start3A_65, %dma_start3A_66] : memref<6x128x128xf32, #tpu.memory_space<vmem>> -> memref<1x128x128xf32, #tpu.memory_space<vmem>>
    %dma_start3A_68 = tpu.memref_squeeze %dma_start3A_67 : memref<1x128x128xf32, #tpu.memory_space<vmem>> -> memref<128x128xf32, #tpu.memory_space<vmem>>
    tpu.enqueue_dma source(%dma_start3A_68 : memref<128x128xf32, #tpu.memory_space<vmem>>) target(%dma_start3A_64 : memref<128x128xf32, #tpu.memory_space<hbm>>) target_semaphore(%arg13 : memref<!tpu.dma_semaphore, #tpu.memory_space<semaphore_mem>>)
    %dma_start3A_69 = arith.constant 3 : i32
    %dma_start3A_70 = arith.constant 3 : i32
    %dma_start3A_71 = arith.constant 0 : i32
    %dma_start3A_72 = arith.constant 0 : i32
    %dma_start3A_73 = tpu.memref_slice %arg6[%dma_start3A_70, %dma_start3A_71, %dma_start3A_72] : memref<6x128x128xf32, #tpu.memory_space<vmem>> -> memref<1x128x128xf32, #tpu.memory_space<vmem>>
    %dma_start3A_74 = tpu.memref_squeeze %dma_start3A_73 : memref<1x128x128xf32, #tpu.memory_space<vmem>> -> memref<128x128xf32, #tpu.memory_space<vmem>>
    %dma_start3A_75 = arith.constant 0 : i32
    %dma_start3A_76 = tpu.memref_slice %arg5[%dma_start3A_69, %dma_start3A_75] : memref<200x128xi32, #tpu.memory_space<vmem>> -> memref<1x128xi32, #tpu.memory_space<vmem>>
    %dma_start3A_77 = tpu.memref_squeeze %dma_start3A_76 : memref<1x128xi32, #tpu.memory_space<vmem>> -> memref<128xi32, #tpu.memory_space<vmem>>
    %dma_start3A_78 = arith.constant 0 : i32
    %dma_start3A_79 = arith.constant 0 : i32
    %dma_start3A_80 = tpu.memref_slice %arg2[%dma_start3A_78, %dma_start3A_79] : memref<100000x128xf32, #tpu.memory_space<hbm>> -> memref<100000x128xf32, #tpu.memory_space<hbm>>
    tpu.enqueue_indirect_dma source(%dma_start3A_80 : memref<100000x128xf32, #tpu.memory_space<hbm>>) target(%dma_start3A_74 : memref<128x128xf32, #tpu.memory_space<vmem>>) offsets(%dma_start3A_77 : memref<128xi32, #tpu.memory_space<vmem>>) semaphore(%arg10 : memref<!tpu.dma_semaphore, #tpu.memory_space<semaphore_mem>>)
    %dma_wait3A_81 = arith.constant 1 : i32
    %dma_wait3A_82 = arith.constant 0 : i32
    %dma_wait3A_83 = arith.constant 0 : i32
    %dma_wait3A_84 = tpu.memref_slice %arg6[%dma_wait3A_81, %dma_wait3A_82, %dma_wait3A_83] : memref<6x128x128xf32, #tpu.memory_space<vmem>> -> memref<1x128x128xf32, #tpu.memory_space<vmem>>
    %dma_wait3A_85 = tpu.memref_squeeze %dma_wait3A_84 : memref<1x128x128xf32, #tpu.memory_space<vmem>> -> memref<128x128xf32, #tpu.memory_space<vmem>>
    %dma_wait3A_86 = arith.constant 0 : i32
    %dma_wait3A_87 = arith.constant 0 : i32
    %dma_wait3A_88 = tpu.memref_slice %arg2[%dma_wait3A_86, %dma_wait3A_87] : memref<100000x128xf32, #tpu.memory_space<hbm>> -> memref<128x128xf32, #tpu.memory_space<hbm>>
    %dma_wait3A_89 = arith.constant 0 : i32
    %dma_wait3A_90 = arith.constant 0 : i32
    %dma_wait3A_91 = tpu.memref_slice %arg6[%dma_wait3A_81, %dma_wait3A_89, %dma_wait3A_90] : memref<6x128x128xf32, #tpu.memory_space<vmem>> -> memref<1x128x128xf32, #tpu.memory_space<vmem>>
    %dma_wait3A_92 = tpu.memref_squeeze %dma_wait3A_91 : memref<1x128x128xf32, #tpu.memory_space<vmem>> -> memref<128x128xf32, #tpu.memory_space<vmem>>
    %dma_wait3A_93 = arith.constant 0 : i32
    %dma_wait3A_94 = arith.constant 0 : i32
    %dma_wait3A_95 = tpu.memref_slice %arg2[%dma_wait3A_93, %dma_wait3A_94] : memref<100000x128xf32, #tpu.memory_space<hbm>> -> memref<128x128xf32, #tpu.memory_space<hbm>>
    tpu.wait_dma2 semaphore(%arg8 : memref<!tpu.dma_semaphore, #tpu.memory_space<semaphore_mem>>) src(%dma_wait3A_95 : memref<128x128xf32, #tpu.memory_space<hbm>>) dst(%dma_wait3A_92 : memref<128x128xf32, #tpu.memory_space<vmem>>)
    %add3A_96 = arith.constant 128 : i32
    %add3A_97 = arith.addi %mul3A_4, %add3A_96 : i32
    %dma_start3A_98 = arith.constant 1 : i32
    %dma_start3A_99 = arith.constant 0 : i32
    %dma_start3A_100 = arith.constant 0 : i32
    %dma_start3A_101 = tpu.memref_slice %arg6[%dma_start3A_98, %dma_start3A_99, %dma_start3A_100] : memref<6x128x128xf32, #tpu.memory_space<vmem>> -> memref<1x128x128xf32, #tpu.memory_space<vmem>>
    %dma_start3A_102 = tpu.memref_squeeze %dma_start3A_101 : memref<1x128x128xf32, #tpu.memory_space<vmem>> -> memref<128x128xf32, #tpu.memory_space<vmem>>
    %dma_start3A_103 = arith.constant 0 : i32
    %dma_start3A_104 = tpu.memref_slice %arg4[%add3A_97, %dma_start3A_103] : memref<819200x128xf32, #tpu.memory_space<hbm>> -> memref<128x128xf32, #tpu.memory_space<hbm>>
    %dma_start3A_105 = arith.constant 0 : i32
    %dma_start3A_106 = tpu.memref_slice %arg4[%add3A_97, %dma_start3A_105] : memref<819200x128xf32, #tpu.memory_space<hbm>> -> memref<128x128xf32, #tpu.memory_space<hbm>>
    %dma_start3A_107 = arith.constant 0 : i32
    %dma_start3A_108 = arith.constant 0 : i32
    %dma_start3A_109 = tpu.memref_slice %arg6[%dma_start3A_98, %dma_start3A_107, %dma_start3A_108] : memref<6x128x128xf32, #tpu.memory_space<vmem>> -> memref<1x128x128xf32, #tpu.memory_space<vmem>>
    %dma_start3A_110 = tpu.memref_squeeze %dma_start3A_109 : memref<1x128x128xf32, #tpu.memory_space<vmem>> -> memref<128x128xf32, #tpu.memory_space<vmem>>
    tpu.enqueue_dma source(%dma_start3A_110 : memref<128x128xf32, #tpu.memory_space<vmem>>) target(%dma_start3A_106 : memref<128x128xf32, #tpu.memory_space<hbm>>) target_semaphore(%arg14 : memref<!tpu.dma_semaphore, #tpu.memory_space<semaphore_mem>>)
    %dma_start3A_111 = arith.constant 4 : i32
    %dma_start3A_112 = arith.constant 4 : i32
    %dma_start3A_113 = arith.constant 0 : i32
    %dma_start3A_114 = arith.constant 0 : i32
    %dma_start3A_115 = tpu.memref_slice %arg6[%dma_start3A_112, %dma_start3A_113, %dma_start3A_114] : memref<6x128x128xf32, #tpu.memory_space<vmem>> -> memref<1x128x128xf32, #tpu.memory_space<vmem>>
    %dma_start3A_116 = tpu.memref_squeeze %dma_start3A_115 : memref<1x128x128xf32, #tpu.memory_space<vmem>> -> memref<128x128xf32, #tpu.memory_space<vmem>>
    %dma_start3A_117 = arith.constant 0 : i32
    %dma_start3A_118 = tpu.memref_slice %arg5[%dma_start3A_111, %dma_start3A_117] : memref<200x128xi32, #tpu.memory_space<vmem>> -> memref<1x128xi32, #tpu.memory_space<vmem>>
    %dma_start3A_119 = tpu.memref_squeeze %dma_start3A_118 : memref<1x128xi32, #tpu.memory_space<vmem>> -> memref<128xi32, #tpu.memory_space<vmem>>
    %dma_start3A_120 = arith.constant 0 : i32
    %dma_start3A_121 = arith.constant 0 : i32
    %dma_start3A_122 = tpu.memref_slice %arg2[%dma_start3A_120, %dma_start3A_121] : memref<100000x128xf32, #tpu.memory_space<hbm>> -> memref<100000x128xf32, #tpu.memory_space<hbm>>
    tpu.enqueue_indirect_dma source(%dma_start3A_122 : memref<100000x128xf32, #tpu.memory_space<hbm>>) target(%dma_start3A_116 : memref<128x128xf32, #tpu.memory_space<vmem>>) offsets(%dma_start3A_119 : memref<128xi32, #tpu.memory_space<vmem>>) semaphore(%arg11 : memref<!tpu.dma_semaphore, #tpu.memory_space<semaphore_mem>>)
    %dma_wait3A_123 = arith.constant 2 : i32
    %dma_wait3A_124 = arith.constant 0 : i32
    %dma_wait3A_125 = arith.constant 0 : i32
    %dma_wait3A_126 = tpu.memref_slice %arg6[%dma_wait3A_123, %dma_wait3A_124, %dma_wait3A_125] : memref<6x128x128xf32, #tpu.memory_space<vmem>> -> memref<1x128x128xf32, #tpu.memory_space<vmem>>
    %dma_wait3A_127 = tpu.memref_squeeze %dma_wait3A_126 : memref<1x128x128xf32, #tpu.memory_space<vmem>> -> memref<128x128xf32, #tpu.memory_space<vmem>>
    %dma_wait3A_128 = arith.constant 0 : i32
    %dma_wait3A_129 = arith.constant 0 : i32
    %dma_wait3A_130 = tpu.memref_slice %arg2[%dma_wait3A_128, %dma_wait3A_129] : memref<100000x128xf32, #tpu.memory_space<hbm>> -> memref<128x128xf32, #tpu.memory_space<hbm>>
    %dma_wait3A_131 = arith.constant 0 : i32
    %dma_wait3A_132 = arith.constant 0 : i32
    %dma_wait3A_133 = tpu.memref_slice %arg6[%dma_wait3A_123, %dma_wait3A_131, %dma_wait3A_132] : memref<6x128x128xf32, #tpu.memory_space<vmem>> -> memref<1x128x128xf32, #tpu.memory_space<vmem>>
    %dma_wait3A_134 = tpu.memref_squeeze %dma_wait3A_133 : memref<1x128x128xf32, #tpu.memory_space<vmem>> -> memref<128x128xf32, #tpu.memory_space<vmem>>
    %dma_wait3A_135 = arith.constant 0 : i32
    %dma_wait3A_136 = arith.constant 0 : i32
    %dma_wait3A_137 = tpu.memref_slice %arg2[%dma_wait3A_135, %dma_wait3A_136] : memref<100000x128xf32, #tpu.memory_space<hbm>> -> memref<128x128xf32, #tpu.memory_space<hbm>>
    tpu.wait_dma2 semaphore(%arg9 : memref<!tpu.dma_semaphore, #tpu.memory_space<semaphore_mem>>) src(%dma_wait3A_137 : memref<128x128xf32, #tpu.memory_space<hbm>>) dst(%dma_wait3A_134 : memref<128x128xf32, #tpu.memory_space<vmem>>)
    %add3A_138 = arith.constant 256 : i32
    %add3A_139 = arith.addi %mul3A_4, %add3A_138 : i32
    %dma_start3A_140 = arith.constant 2 : i32
    %dma_start3A_141 = arith.constant 0 : i32
    %dma_start3A_142 = arith.constant 0 : i32
    %dma_start3A_143 = tpu.memref_slice %arg6[%dma_start3A_140, %dma_start3A_141, %dma_start3A_142] : memref<6x128x128xf32, #tpu.memory_space<vmem>> -> memref<1x128x128xf32, #tpu.memory_space<vmem>>
    %dma_start3A_144 = tpu.memref_squeeze %dma_start3A_143 : memref<1x128x128xf32, #tpu.memory_space<vmem>> -> memref<128x128xf32, #tpu.memory_space<vmem>>
    %dma_start3A_145 = arith.constant 0 : i32
    %dma_start3A_146 = tpu.memref_slice %arg4[%add3A_139, %dma_start3A_145] : memref<819200x128xf32, #tpu.memory_space<hbm>> -> memref<128x128xf32, #tpu.memory_space<hbm>>
    %dma_start3A_147 = arith.constant 0 : i32
    %dma_start3A_148 = tpu.memref_slice %arg4[%add3A_139, %dma_start3A_147] : memref<819200x128xf32, #tpu.memory_space<hbm>> -> memref<128x128xf32, #tpu.memory_space<hbm>>
    %dma_start3A_149 = arith.constant 0 : i32
    %dma_start3A_150 = arith.constant 0 : i32
    %dma_start3A_151 = tpu.memref_slice %arg6[%dma_start3A_140, %dma_start3A_149, %dma_start3A_150] : memref<6x128x128xf32, #tpu.memory_space<vmem>> -> memref<1x128x128xf32, #tpu.memory_space<vmem>>
    %dma_start3A_152 = tpu.memref_squeeze %dma_start3A_151 : memref<1x128x128xf32, #tpu.memory_space<vmem>> -> memref<128x128xf32, #tpu.memory_space<vmem>>
    tpu.enqueue_dma source(%dma_start3A_152 : memref<128x128xf32, #tpu.memory_space<vmem>>) target(%dma_start3A_148 : memref<128x128xf32, #tpu.memory_space<hbm>>) target_semaphore(%arg15 : memref<!tpu.dma_semaphore, #tpu.memory_space<semaphore_mem>>)
    %dma_start3A_153 = arith.constant 5 : i32
    %dma_start3A_154 = arith.constant 5 : i32
    %dma_start3A_155 = arith.constant 0 : i32
    %dma_start3A_156 = arith.constant 0 : i32
    %dma_start3A_157 = tpu.memref_slice %arg6[%dma_start3A_154, %dma_start3A_155, %dma_start3A_156] : memref<6x128x128xf32, #tpu.memory_space<vmem>> -> memref<1x128x128xf32, #tpu.memory_space<vmem>>
    %dma_start3A_158 = tpu.memref_squeeze %dma_start3A_157 : memref<1x128x128xf32, #tpu.memory_space<vmem>> -> memref<128x128xf32, #tpu.memory_space<vmem>>
    %dma_start3A_159 = arith.constant 0 : i32
    %dma_start3A_160 = tpu.memref_slice %arg5[%dma_start3A_153, %dma_start3A_159] : memref<200x128xi32, #tpu.memory_space<vmem>> -> memref<1x128xi32, #tpu.memory_space<vmem>>
    %dma_start3A_161 = tpu.memref_squeeze %dma_start3A_160 : memref<1x128xi32, #tpu.memory_space<vmem>> -> memref<128xi32, #tpu.memory_space<vmem>>
    %dma_start3A_162 = arith.constant 0 : i32
    %dma_start3A_163 = arith.constant 0 : i32
    %dma_start3A_164 = tpu.memref_slice %arg2[%dma_start3A_162, %dma_start3A_163] : memref<100000x128xf32, #tpu.memory_space<hbm>> -> memref<100000x128xf32, #tpu.memory_space<hbm>>
    tpu.enqueue_indirect_dma source(%dma_start3A_164 : memref<100000x128xf32, #tpu.memory_space<hbm>>) target(%dma_start3A_158 : memref<128x128xf32, #tpu.memory_space<vmem>>) offsets(%dma_start3A_161 : memref<128xi32, #tpu.memory_space<vmem>>) semaphore(%arg12 : memref<!tpu.dma_semaphore, #tpu.memory_space<semaphore_mem>>)
    %scan3A = arith.constant 0 : i32
    %scan3A_165 = arith.constant 0 : i32
    %scan3A_166 = arith.constant 32 : i32
    %scan3A_167 = arith.addi %scan3A_165, %scan3A_166 : i32
    %scan3A_168 = arith.constant 1 : i32
    scf.for %scan3A_464 = %scan3A_165 to %scan3A_167 step %scan3A_168  : i32 {
      %mul3A_465 = arith.constant 6 : i32
      %mul3A_466 = arith.muli %mul3A_465, %scan3A_464 : i32
      %add3A_467 = arith.constant 3 : i32
      %add3A_468 = arith.addi %mul3A_466, %add3A_467 : i32
      %add3A_469 = arith.constant 0 : i32
      %add3A_470 = arith.addi %add3A_468, %add3A_469 : i32
      %dma_wait3A_471 = arith.constant 3 : i32
      %dma_wait3A_472 = arith.constant 0 : i32
      %dma_wait3A_473 = arith.constant 0 : i32
      %dma_wait3A_474 = tpu.memref_slice %arg6[%dma_wait3A_471, %dma_wait3A_472, %dma_wait3A_473] : memref<6x128x128xf32, #tpu.memory_space<vmem>> -> memref<1x128x128xf32, #tpu.memory_space<vmem>>
      %dma_wait3A_475 = tpu.memref_squeeze %dma_wait3A_474 : memref<1x128x128xf32, #tpu.memory_space<vmem>> -> memref<128x128xf32, #tpu.memory_space<vmem>>
      %dma_wait3A_476 = arith.constant 0 : i32
      %dma_wait3A_477 = arith.constant 0 : i32
      %dma_wait3A_478 = tpu.memref_slice %arg2[%dma_wait3A_476, %dma_wait3A_477] : memref<100000x128xf32, #tpu.memory_space<hbm>> -> memref<128x128xf32, #tpu.memory_space<hbm>>
      %dma_wait3A_479 = arith.constant 0 : i32
      %dma_wait3A_480 = arith.constant 0 : i32
      %dma_wait3A_481 = tpu.memref_slice %arg6[%dma_wait3A_471, %dma_wait3A_479, %dma_wait3A_480] : memref<6x128x128xf32, #tpu.memory_space<vmem>> -> memref<1x128x128xf32, #tpu.memory_space<vmem>>
      %dma_wait3A_482 = tpu.memref_squeeze %dma_wait3A_481 : memref<1x128x128xf32, #tpu.memory_space<vmem>> -> memref<128x128xf32, #tpu.memory_space<vmem>>
      %dma_wait3A_483 = arith.constant 0 : i32
      %dma_wait3A_484 = arith.constant 0 : i32
      %dma_wait3A_485 = tpu.memref_slice %arg2[%dma_wait3A_483, %dma_wait3A_484] : memref<100000x128xf32, #tpu.memory_space<hbm>> -> memref<128x128xf32, #tpu.memory_space<hbm>>
      tpu.wait_dma2 semaphore(%arg10 : memref<!tpu.dma_semaphore, #tpu.memory_space<semaphore_mem>>) src(%dma_wait3A_485 : memref<128x128xf32, #tpu.memory_space<hbm>>) dst(%dma_wait3A_482 : memref<128x128xf32, #tpu.memory_space<vmem>>)
      %mul3A_486 = arith.constant 128 : i32
      %mul3A_487 = arith.muli %add3A_470, %mul3A_486 : i32
      %add3A_488 = arith.addi %mul3A_4, %mul3A_487 : i32
      %dma_start3A_489 = arith.constant 3 : i32
      %dma_start3A_490 = arith.constant 0 : i32
      %dma_start3A_491 = arith.constant 0 : i32
      %dma_start3A_492 = tpu.memref_slice %arg6[%dma_start3A_489, %dma_start3A_490, %dma_start3A_491] : memref<6x128x128xf32, #tpu.memory_space<vmem>> -> memref<1x128x128xf32, #tpu.memory_space<vmem>>
      %dma_start3A_493 = tpu.memref_squeeze %dma_start3A_492 : memref<1x128x128xf32, #tpu.memory_space<vmem>> -> memref<128x128xf32, #tpu.memory_space<vmem>>
      %dma_start3A_494 = arith.constant 0 : i32
      %dma_start3A_495 = tpu.memref_slice %arg4[%add3A_488, %dma_start3A_494] : memref<819200x128xf32, #tpu.memory_space<hbm>> -> memref<128x128xf32, #tpu.memory_space<hbm>>
      %dma_start3A_496 = arith.constant 0 : i32
      %dma_start3A_497 = tpu.memref_slice %arg4[%add3A_488, %dma_start3A_496] : memref<819200x128xf32, #tpu.memory_space<hbm>> -> memref<128x128xf32, #tpu.memory_space<hbm>>
      %dma_start3A_498 = arith.constant 0 : i32
      %dma_start3A_499 = arith.constant 0 : i32
      %dma_start3A_500 = tpu.memref_slice %arg6[%dma_start3A_489, %dma_start3A_498, %dma_start3A_499] : memref<6x128x128xf32, #tpu.memory_space<vmem>> -> memref<1x128x128xf32, #tpu.memory_space<vmem>>
      %dma_start3A_501 = tpu.memref_squeeze %dma_start3A_500 : memref<1x128x128xf32, #tpu.memory_space<vmem>> -> memref<128x128xf32, #tpu.memory_space<vmem>>
      tpu.enqueue_dma source(%dma_start3A_501 : memref<128x128xf32, #tpu.memory_space<vmem>>) target(%dma_start3A_497 : memref<128x128xf32, #tpu.memory_space<hbm>>) target_semaphore(%arg16 : memref<!tpu.dma_semaphore, #tpu.memory_space<semaphore_mem>>)
      %dma_wait3A_502 = arith.constant 0 : i32
      %dma_wait3A_503 = arith.constant 0 : i32
      %dma_wait3A_504 = arith.constant 0 : i32
      %dma_wait3A_505 = tpu.memref_slice %arg6[%dma_wait3A_502, %dma_wait3A_503, %dma_wait3A_504] : memref<6x128x128xf32, #tpu.memory_space<vmem>> -> memref<1x128x128xf32, #tpu.memory_space<vmem>>
      %dma_wait3A_506 = tpu.memref_squeeze %dma_wait3A_505 : memref<1x128x128xf32, #tpu.memory_space<vmem>> -> memref<128x128xf32, #tpu.memory_space<vmem>>
      %dma_wait3A_507 = arith.constant 0 : i32
      %dma_wait3A_508 = arith.constant 0 : i32
      %dma_wait3A_509 = tpu.memref_slice %arg4[%dma_wait3A_507, %dma_wait3A_508] : memref<819200x128xf32, #tpu.memory_space<hbm>> -> memref<128x128xf32, #tpu.memory_space<hbm>>
      %dma_wait3A_510 = arith.constant 0 : i32
      %dma_wait3A_511 = arith.constant 0 : i32
      %dma_wait3A_512 = tpu.memref_slice %arg4[%dma_wait3A_510, %dma_wait3A_511] : memref<819200x128xf32, #tpu.memory_space<hbm>> -> memref<128x128xf32, #tpu.memory_space<hbm>>
      %dma_wait3A_513 = arith.constant 0 : i32
      %dma_wait3A_514 = arith.constant 0 : i32
      %dma_wait3A_515 = tpu.memref_slice %arg6[%dma_wait3A_502, %dma_wait3A_513, %dma_wait3A_514] : memref<6x128x128xf32, #tpu.memory_space<vmem>> -> memref<1x128x128xf32, #tpu.memory_space<vmem>>
      %dma_wait3A_516 = tpu.memref_squeeze %dma_wait3A_515 : memref<1x128x128xf32, #tpu.memory_space<vmem>> -> memref<128x128xf32, #tpu.memory_space<vmem>>
      tpu.wait_dma2 semaphore(%arg13 : memref<!tpu.dma_semaphore, #tpu.memory_space<semaphore_mem>>) src(%dma_wait3A_516 : memref<128x128xf32, #tpu.memory_space<vmem>>) dst(%dma_wait3A_512 : memref<128x128xf32, #tpu.memory_space<hbm>>)
      %add3A_517 = arith.constant 3 : i32
      %add3A_518 = arith.addi %add3A_470, %add3A_517 : i32
      %dma_start3A_519 = arith.constant 0 : i32
      %dma_start3A_520 = arith.constant 0 : i32
      %dma_start3A_521 = arith.constant 0 : i32
      %dma_start3A_522 = tpu.memref_slice %arg6[%dma_start3A_519, %dma_start3A_520, %dma_start3A_521] : memref<6x128x128xf32, #tpu.memory_space<vmem>> -> memref<1x128x128xf32, #tpu.memory_space<vmem>>
      %dma_start3A_523 = tpu.memref_squeeze %dma_start3A_522 : memref<1x128x128xf32, #tpu.memory_space<vmem>> -> memref<128x128xf32, #tpu.memory_space<vmem>>
      %dma_start3A_524 = arith.constant 0 : i32
      %dma_start3A_525 = tpu.memref_slice %arg5[%add3A_518, %dma_start3A_524] : memref<200x128xi32, #tpu.memory_space<vmem>> -> memref<1x128xi32, #tpu.memory_space<vmem>>
      %dma_start3A_526 = tpu.memref_squeeze %dma_start3A_525 : memref<1x128xi32, #tpu.memory_space<vmem>> -> memref<128xi32, #tpu.memory_space<vmem>>
      %dma_start3A_527 = arith.constant 0 : i32
      %dma_start3A_528 = arith.constant 0 : i32
      %dma_start3A_529 = tpu.memref_slice %arg2[%dma_start3A_527, %dma_start3A_528] : memref<100000x128xf32, #tpu.memory_space<hbm>> -> memref<100000x128xf32, #tpu.memory_space<hbm>>
      tpu.enqueue_indirect_dma source(%dma_start3A_529 : memref<100000x128xf32, #tpu.memory_space<hbm>>) target(%dma_start3A_523 : memref<128x128xf32, #tpu.memory_space<vmem>>) offsets(%dma_start3A_526 : memref<128xi32, #tpu.memory_space<vmem>>) semaphore(%arg7 : memref<!tpu.dma_semaphore, #tpu.memory_space<semaphore_mem>>)
      %mul3A_530 = arith.constant 6 : i32
      %mul3A_531 = arith.muli %mul3A_530, %scan3A_464 : i32
      %add3A_532 = arith.constant 3 : i32
      %add3A_533 = arith.addi %mul3A_531, %add3A_532 : i32
      %add3A_534 = arith.constant 1 : i32
      %add3A_535 = arith.addi %add3A_533, %add3A_534 : i32
      %dma_wait3A_536 = arith.constant 4 : i32
      %dma_wait3A_537 = arith.constant 0 : i32
      %dma_wait3A_538 = arith.constant 0 : i32
      %dma_wait3A_539 = tpu.memref_slice %arg6[%dma_wait3A_536, %dma_wait3A_537, %dma_wait3A_538] : memref<6x128x128xf32, #tpu.memory_space<vmem>> -> memref<1x128x128xf32, #tpu.memory_space<vmem>>
      %dma_wait3A_540 = tpu.memref_squeeze %dma_wait3A_539 : memref<1x128x128xf32, #tpu.memory_space<vmem>> -> memref<128x128xf32, #tpu.memory_space<vmem>>
      %dma_wait3A_541 = arith.constant 0 : i32
      %dma_wait3A_542 = arith.constant 0 : i32
      %dma_wait3A_543 = tpu.memref_slice %arg2[%dma_wait3A_541, %dma_wait3A_542] : memref<100000x128xf32, #tpu.memory_space<hbm>> -> memref<128x128xf32, #tpu.memory_space<hbm>>
      %dma_wait3A_544 = arith.constant 0 : i32
      %dma_wait3A_545 = arith.constant 0 : i32
      %dma_wait3A_546 = tpu.memref_slice %arg6[%dma_wait3A_536, %dma_wait3A_544, %dma_wait3A_545] : memref<6x128x128xf32, #tpu.memory_space<vmem>> -> memref<1x128x128xf32, #tpu.memory_space<vmem>>
      %dma_wait3A_547 = tpu.memref_squeeze %dma_wait3A_546 : memref<1x128x128xf32, #tpu.memory_space<vmem>> -> memref<128x128xf32, #tpu.memory_space<vmem>>
      %dma_wait3A_548 = arith.constant 0 : i32
      %dma_wait3A_549 = arith.constant 0 : i32
      %dma_wait3A_550 = tpu.memref_slice %arg2[%dma_wait3A_548, %dma_wait3A_549] : memref<100000x128xf32, #tpu.memory_space<hbm>> -> memref<128x128xf32, #tpu.memory_space<hbm>>
      tpu.wait_dma2 semaphore(%arg11 : memref<!tpu.dma_semaphore, #tpu.memory_space<semaphore_mem>>) src(%dma_wait3A_550 : memref<128x128xf32, #tpu.memory_space<hbm>>) dst(%dma_wait3A_547 : memref<128x128xf32, #tpu.memory_space<vmem>>)
      %mul3A_551 = arith.constant 128 : i32
      %mul3A_552 = arith.muli %add3A_535, %mul3A_551 : i32
      %add3A_553 = arith.addi %mul3A_4, %mul3A_552 : i32
      %dma_start3A_554 = arith.constant 4 : i32
      %dma_start3A_555 = arith.constant 0 : i32
      %dma_start3A_556 = arith.constant 0 : i32
      %dma_start3A_557 = tpu.memref_slice %arg6[%dma_start3A_554, %dma_start3A_555, %dma_start3A_556] : memref<6x128x128xf32, #tpu.memory_space<vmem>> -> memref<1x128x128xf32, #tpu.memory_space<vmem>>
      %dma_start3A_558 = tpu.memref_squeeze %dma_start3A_557 : memref<1x128x128xf32, #tpu.memory_space<vmem>> -> memref<128x128xf32, #tpu.memory_space<vmem>>
      %dma_start3A_559 = arith.constant 0 : i32
      %dma_start3A_560 = tpu.memref_slice %arg4[%add3A_553, %dma_start3A_559] : memref<819200x128xf32, #tpu.memory_space<hbm>> -> memref<128x128xf32, #tpu.memory_space<hbm>>
      %dma_start3A_561 = arith.constant 0 : i32
      %dma_start3A_562 = tpu.memref_slice %arg4[%add3A_553, %dma_start3A_561] : memref<819200x128xf32, #tpu.memory_space<hbm>> -> memref<128x128xf32, #tpu.memory_space<hbm>>
      %dma_start3A_563 = arith.constant 0 : i32
      %dma_start3A_564 = arith.constant 0 : i32
      %dma_start3A_565 = tpu.memref_slice %arg6[%dma_start3A_554, %dma_start3A_563, %dma_start3A_564] : memref<6x128x128xf32, #tpu.memory_space<vmem>> -> memref<1x128x128xf32, #tpu.memory_space<vmem>>
      %dma_start3A_566 = tpu.memref_squeeze %dma_start3A_565 : memref<1x128x128xf32, #tpu.memory_space<vmem>> -> memref<128x128xf32, #tpu.memory_space<vmem>>
      tpu.enqueue_dma source(%dma_start3A_566 : memref<128x128xf32, #tpu.memory_space<vmem>>) target(%dma_start3A_562 : memref<128x128xf32, #tpu.memory_space<hbm>>) target_semaphore(%arg17 : memref<!tpu.dma_semaphore, #tpu.memory_space<semaphore_mem>>)
      %dma_wait3A_567 = arith.constant 1 : i32
      %dma_wait3A_568 = arith.constant 0 : i32
      %dma_wait3A_569 = arith.constant 0 : i32
      %dma_wait3A_570 = tpu.memref_slice %arg6[%dma_wait3A_567, %dma_wait3A_568, %dma_wait3A_569] : memref<6x128x128xf32, #tpu.memory_space<vmem>> -> memref<1x128x128xf32, #tpu.memory_space<vmem>>
      %dma_wait3A_571 = tpu.memref_squeeze %dma_wait3A_570 : memref<1x128x128xf32, #tpu.memory_space<vmem>> -> memref<128x128xf32, #tpu.memory_space<vmem>>
      %dma_wait3A_572 = arith.constant 0 : i32
      %dma_wait3A_573 = arith.constant 0 : i32
      %dma_wait3A_574 = tpu.memref_slice %arg4[%dma_wait3A_572, %dma_wait3A_573] : memref<819200x128xf32, #tpu.memory_space<hbm>> -> memref<128x128xf32, #tpu.memory_space<hbm>>
      %dma_wait3A_575 = arith.constant 0 : i32
      %dma_wait3A_576 = arith.constant 0 : i32
      %dma_wait3A_577 = tpu.memref_slice %arg4[%dma_wait3A_575, %dma_wait3A_576] : memref<819200x128xf32, #tpu.memory_space<hbm>> -> memref<128x128xf32, #tpu.memory_space<hbm>>
      %dma_wait3A_578 = arith.constant 0 : i32
      %dma_wait3A_579 = arith.constant 0 : i32
      %dma_wait3A_580 = tpu.memref_slice %arg6[%dma_wait3A_567, %dma_wait3A_578, %dma_wait3A_579] : memref<6x128x128xf32, #tpu.memory_space<vmem>> -> memref<1x128x128xf32, #tpu.memory_space<vmem>>
      %dma_wait3A_581 = tpu.memref_squeeze %dma_wait3A_580 : memref<1x128x128xf32, #tpu.memory_space<vmem>> -> memref<128x128xf32, #tpu.memory_space<vmem>>
      tpu.wait_dma2 semaphore(%arg14 : memref<!tpu.dma_semaphore, #tpu.memory_space<semaphore_mem>>) src(%dma_wait3A_581 : memref<128x128xf32, #tpu.memory_space<vmem>>) dst(%dma_wait3A_577 : memref<128x128xf32, #tpu.memory_space<hbm>>)
      %add3A_582 = arith.constant 3 : i32
      %add3A_583 = arith.addi %add3A_535, %add3A_582 : i32
      %dma_start3A_584 = arith.constant 1 : i32
      %dma_start3A_585 = arith.constant 0 : i32
      %dma_start3A_586 = arith.constant 0 : i32
      %dma_start3A_587 = tpu.memref_slice %arg6[%dma_start3A_584, %dma_start3A_585, %dma_start3A_586] : memref<6x128x128xf32, #tpu.memory_space<vmem>> -> memref<1x128x128xf32, #tpu.memory_space<vmem>>
      %dma_start3A_588 = tpu.memref_squeeze %dma_start3A_587 : memref<1x128x128xf32, #tpu.memory_space<vmem>> -> memref<128x128xf32, #tpu.memory_space<vmem>>
      %dma_start3A_589 = arith.constant 0 : i32
      %dma_start3A_590 = tpu.memref_slice %arg5[%add3A_583, %dma_start3A_589] : memref<200x128xi32, #tpu.memory_space<vmem>> -> memref<1x128xi32, #tpu.memory_space<vmem>>
      %dma_start3A_591 = tpu.memref_squeeze %dma_start3A_590 : memref<1x128xi32, #tpu.memory_space<vmem>> -> memref<128xi32, #tpu.memory_space<vmem>>
      %dma_start3A_592 = arith.constant 0 : i32
      %dma_start3A_593 = arith.constant 0 : i32
      %dma_start3A_594 = tpu.memref_slice %arg2[%dma_start3A_592, %dma_start3A_593] : memref<100000x128xf32, #tpu.memory_space<hbm>> -> memref<100000x128xf32, #tpu.memory_space<hbm>>
      tpu.enqueue_indirect_dma source(%dma_start3A_594 : memref<100000x128xf32, #tpu.memory_space<hbm>>) target(%dma_start3A_588 : memref<128x128xf32, #tpu.memory_space<vmem>>) offsets(%dma_start3A_591 : memref<128xi32, #tpu.memory_space<vmem>>) semaphore(%arg8 : memref<!tpu.dma_semaphore, #tpu.memory_space<semaphore_mem>>)
      %mul3A_595 = arith.constant 6 : i32
      %mul3A_596 = arith.muli %mul3A_595, %scan3A_464 : i32
      %add3A_597 = arith.constant 3 : i32
      %add3A_598 = arith.addi %mul3A_596, %add3A_597 : i32
      %add3A_599 = arith.constant 2 : i32
      %add3A_600 = arith.addi %add3A_598, %add3A_599 : i32
      %dma_wait3A_601 = arith.constant 5 : i32
      %dma_wait3A_602 = arith.constant 0 : i32
      %dma_wait3A_603 = arith.constant 0 : i32
      %dma_wait3A_604 = tpu.memref_slice %arg6[%dma_wait3A_601, %dma_wait3A_602, %dma_wait3A_603] : memref<6x128x128xf32, #tpu.memory_space<vmem>> -> memref<1x128x128xf32, #tpu.memory_space<vmem>>
      %dma_wait3A_605 = tpu.memref_squeeze %dma_wait3A_604 : memref<1x128x128xf32, #tpu.memory_space<vmem>> -> memref<128x128xf32, #tpu.memory_space<vmem>>
      %dma_wait3A_606 = arith.constant 0 : i32
      %dma_wait3A_607 = arith.constant 0 : i32
      %dma_wait3A_608 = tpu.memref_slice %arg2[%dma_wait3A_606, %dma_wait3A_607] : memref<100000x128xf32, #tpu.memory_space<hbm>> -> memref<128x128xf32, #tpu.memory_space<hbm>>
      %dma_wait3A_609 = arith.constant 0 : i32
      %dma_wait3A_610 = arith.constant 0 : i32
      %dma_wait3A_611 = tpu.memref_slice %arg6[%dma_wait3A_601, %dma_wait3A_609, %dma_wait3A_610] : memref<6x128x128xf32, #tpu.memory_space<vmem>> -> memref<1x128x128xf32, #tpu.memory_space<vmem>>
      %dma_wait3A_612 = tpu.memref_squeeze %dma_wait3A_611 : memref<1x128x128xf32, #tpu.memory_space<vmem>> -> memref<128x128xf32, #tpu.memory_space<vmem>>
      %dma_wait3A_613 = arith.constant 0 : i32
      %dma_wait3A_614 = arith.constant 0 : i32
      %dma_wait3A_615 = tpu.memref_slice %arg2[%dma_wait3A_613, %dma_wait3A_614] : memref<100000x128xf32, #tpu.memory_space<hbm>> -> memref<128x128xf32, #tpu.memory_space<hbm>>
      tpu.wait_dma2 semaphore(%arg12 : memref<!tpu.dma_semaphore, #tpu.memory_space<semaphore_mem>>) src(%dma_wait3A_615 : memref<128x128xf32, #tpu.memory_space<hbm>>) dst(%dma_wait3A_612 : memref<128x128xf32, #tpu.memory_space<vmem>>)
      %mul3A_616 = arith.constant 128 : i32
      %mul3A_617 = arith.muli %add3A_600, %mul3A_616 : i32
      %add3A_618 = arith.addi %mul3A_4, %mul3A_617 : i32
      %dma_start3A_619 = arith.constant 5 : i32
      %dma_start3A_620 = arith.constant 0 : i32
      %dma_start3A_621 = arith.constant 0 : i32
      %dma_start3A_622 = tpu.memref_slice %arg6[%dma_start3A_619, %dma_start3A_620, %dma_start3A_621] : memref<6x128x128xf32, #tpu.memory_space<vmem>> -> memref<1x128x128xf32, #tpu.memory_space<vmem>>
      %dma_start3A_623 = tpu.memref_squeeze %dma_start3A_622 : memref<1x128x128xf32, #tpu.memory_space<vmem>> -> memref<128x128xf32, #tpu.memory_space<vmem>>
      %dma_start3A_624 = arith.constant 0 : i32
      %dma_start3A_625 = tpu.memref_slice %arg4[%add3A_618, %dma_start3A_624] : memref<819200x128xf32, #tpu.memory_space<hbm>> -> memref<128x128xf32, #tpu.memory_space<hbm>>
      %dma_start3A_626 = arith.constant 0 : i32
      %dma_start3A_627 = tpu.memref_slice %arg4[%add3A_618, %dma_start3A_626] : memref<819200x128xf32, #tpu.memory_space<hbm>> -> memref<128x128xf32, #tpu.memory_space<hbm>>
      %dma_start3A_628 = arith.constant 0 : i32
      %dma_start3A_629 = arith.constant 0 : i32
      %dma_start3A_630 = tpu.memref_slice %arg6[%dma_start3A_619, %dma_start3A_628, %dma_start3A_629] : memref<6x128x128xf32, #tpu.memory_space<vmem>> -> memref<1x128x128xf32, #tpu.memory_space<vmem>>
      %dma_start3A_631 = tpu.memref_squeeze %dma_start3A_630 : memref<1x128x128xf32, #tpu.memory_space<vmem>> -> memref<128x128xf32, #tpu.memory_space<vmem>>
      tpu.enqueue_dma source(%dma_start3A_631 : memref<128x128xf32, #tpu.memory_space<vmem>>) target(%dma_start3A_627 : memref<128x128xf32, #tpu.memory_space<hbm>>) target_semaphore(%arg18 : memref<!tpu.dma_semaphore, #tpu.memory_space<semaphore_mem>>)
      %dma_wait3A_632 = arith.constant 2 : i32
      %dma_wait3A_633 = arith.constant 0 : i32
      %dma_wait3A_634 = arith.constant 0 : i32
      %dma_wait3A_635 = tpu.memref_slice %arg6[%dma_wait3A_632, %dma_wait3A_633, %dma_wait3A_634] : memref<6x128x128xf32, #tpu.memory_space<vmem>> -> memref<1x128x128xf32, #tpu.memory_space<vmem>>
      %dma_wait3A_636 = tpu.memref_squeeze %dma_wait3A_635 : memref<1x128x128xf32, #tpu.memory_space<vmem>> -> memref<128x128xf32, #tpu.memory_space<vmem>>
      %dma_wait3A_637 = arith.constant 0 : i32
      %dma_wait3A_638 = arith.constant 0 : i32
      %dma_wait3A_639 = tpu.memref_slice %arg4[%dma_wait3A_637, %dma_wait3A_638] : memref<819200x128xf32, #tpu.memory_space<hbm>> -> memref<128x128xf32, #tpu.memory_space<hbm>>
      %dma_wait3A_640 = arith.constant 0 : i32
      %dma_wait3A_641 = arith.constant 0 : i32
      %dma_wait3A_642 = tpu.memref_slice %arg4[%dma_wait3A_640, %dma_wait3A_641] : memref<819200x128xf32, #tpu.memory_space<hbm>> -> memref<128x128xf32, #tpu.memory_space<hbm>>
      %dma_wait3A_643 = arith.constant 0 : i32
      %dma_wait3A_644 = arith.constant 0 : i32
      %dma_wait3A_645 = tpu.memref_slice %arg6[%dma_wait3A_632, %dma_wait3A_643, %dma_wait3A_644] : memref<6x128x128xf32, #tpu.memory_space<vmem>> -> memref<1x128x128xf32, #tpu.memory_space<vmem>>
      %dma_wait3A_646 = tpu.memref_squeeze %dma_wait3A_645 : memref<1x128x128xf32, #tpu.memory_space<vmem>> -> memref<128x128xf32, #tpu.memory_space<vmem>>
      tpu.wait_dma2 semaphore(%arg15 : memref<!tpu.dma_semaphore, #tpu.memory_space<semaphore_mem>>) src(%dma_wait3A_646 : memref<128x128xf32, #tpu.memory_space<vmem>>) dst(%dma_wait3A_642 : memref<128x128xf32, #tpu.memory_space<hbm>>)
      %add3A_647 = arith.constant 3 : i32
      %add3A_648 = arith.addi %add3A_600, %add3A_647 : i32
      %dma_start3A_649 = arith.constant 2 : i32
      %dma_start3A_650 = arith.constant 0 : i32
      %dma_start3A_651 = arith.constant 0 : i32
      %dma_start3A_652 = tpu.memref_slice %arg6[%dma_start3A_649, %dma_start3A_650, %dma_start3A_651] : memref<6x128x128xf32, #tpu.memory_space<vmem>> -> memref<1x128x128xf32, #tpu.memory_space<vmem>>
      %dma_start3A_653 = tpu.memref_squeeze %dma_start3A_652 : memref<1x128x128xf32, #tpu.memory_space<vmem>> -> memref<128x128xf32, #tpu.memory_space<vmem>>
      %dma_start3A_654 = arith.constant 0 : i32
      %dma_start3A_655 = tpu.memref_slice %arg5[%add3A_648, %dma_start3A_654] : memref<200x128xi32, #tpu.memory_space<vmem>> -> memref<1x128xi32, #tpu.memory_space<vmem>>
      %dma_start3A_656 = tpu.memref_squeeze %dma_start3A_655 : memref<1x128xi32, #tpu.memory_space<vmem>> -> memref<128xi32, #tpu.memory_space<vmem>>
      %dma_start3A_657 = arith.constant 0 : i32
      %dma_start3A_658 = arith.constant 0 : i32
      %dma_start3A_659 = tpu.memref_slice %arg2[%dma_start3A_657, %dma_start3A_658] : memref<100000x128xf32, #tpu.memory_space<hbm>> -> memref<100000x128xf32, #tpu.memory_space<hbm>>
      tpu.enqueue_indirect_dma source(%dma_start3A_659 : memref<100000x128xf32, #tpu.memory_space<hbm>>) target(%dma_start3A_653 : memref<128x128xf32, #tpu.memory_space<vmem>>) offsets(%dma_start3A_656 : memref<128xi32, #tpu.memory_space<vmem>>) semaphore(%arg9 : memref<!tpu.dma_semaphore, #tpu.memory_space<semaphore_mem>>)
      %mul3A_660 = arith.constant 6 : i32
      %mul3A_661 = arith.muli %mul3A_660, %scan3A_464 : i32
      %add3A_662 = arith.constant 3 : i32
      %add3A_663 = arith.addi %mul3A_661, %add3A_662 : i32
      %add3A_664 = arith.constant 3 : i32
      %add3A_665 = arith.addi %add3A_663, %add3A_664 : i32
      %dma_wait3A_666 = arith.constant 0 : i32
      %dma_wait3A_667 = arith.constant 0 : i32
      %dma_wait3A_668 = arith.constant 0 : i32
      %dma_wait3A_669 = tpu.memref_slice %arg6[%dma_wait3A_666, %dma_wait3A_667, %dma_wait3A_668] : memref<6x128x128xf32, #tpu.memory_space<vmem>> -> memref<1x128x128xf32, #tpu.memory_space<vmem>>
      %dma_wait3A_670 = tpu.memref_squeeze %dma_wait3A_669 : memref<1x128x128xf32, #tpu.memory_space<vmem>> -> memref<128x128xf32, #tpu.memory_space<vmem>>
      %dma_wait3A_671 = arith.constant 0 : i32
      %dma_wait3A_672 = arith.constant 0 : i32
      %dma_wait3A_673 = tpu.memref_slice %arg2[%dma_wait3A_671, %dma_wait3A_672] : memref<100000x128xf32, #tpu.memory_space<hbm>> -> memref<128x128xf32, #tpu.memory_space<hbm>>
      %dma_wait3A_674 = arith.constant 0 : i32
      %dma_wait3A_675 = arith.constant 0 : i32
      %dma_wait3A_676 = tpu.memref_slice %arg6[%dma_wait3A_666, %dma_wait3A_674, %dma_wait3A_675] : memref<6x128x128xf32, #tpu.memory_space<vmem>> -> memref<1x128x128xf32, #tpu.memory_space<vmem>>
      %dma_wait3A_677 = tpu.memref_squeeze %dma_wait3A_676 : memref<1x128x128xf32, #tpu.memory_space<vmem>> -> memref<128x128xf32, #tpu.memory_space<vmem>>
      %dma_wait3A_678 = arith.constant 0 : i32
      %dma_wait3A_679 = arith.constant 0 : i32
      %dma_wait3A_680 = tpu.memref_slice %arg2[%dma_wait3A_678, %dma_wait3A_679] : memref<100000x128xf32, #tpu.memory_space<hbm>> -> memref<128x128xf32, #tpu.memory_space<hbm>>
      tpu.wait_dma2 semaphore(%arg7 : memref<!tpu.dma_semaphore, #tpu.memory_space<semaphore_mem>>) src(%dma_wait3A_680 : memref<128x128xf32, #tpu.memory_space<hbm>>) dst(%dma_wait3A_677 : memref<128x128xf32, #tpu.memory_space<vmem>>)
      %mul3A_681 = arith.constant 128 : i32
      %mul3A_682 = arith.muli %add3A_665, %mul3A_681 : i32
      %add3A_683 = arith.addi %mul3A_4, %mul3A_682 : i32
      %dma_start3A_684 = arith.constant 0 : i32
      %dma_start3A_685 = arith.constant 0 : i32
      %dma_start3A_686 = arith.constant 0 : i32
      %dma_start3A_687 = tpu.memref_slice %arg6[%dma_start3A_684, %dma_start3A_685, %dma_start3A_686] : memref<6x128x128xf32, #tpu.memory_space<vmem>> -> memref<1x128x128xf32, #tpu.memory_space<vmem>>
      %dma_start3A_688 = tpu.memref_squeeze %dma_start3A_687 : memref<1x128x128xf32, #tpu.memory_space<vmem>> -> memref<128x128xf32, #tpu.memory_space<vmem>>
      %dma_start3A_689 = arith.constant 0 : i32
      %dma_start3A_690 = tpu.memref_slice %arg4[%add3A_683, %dma_start3A_689] : memref<819200x128xf32, #tpu.memory_space<hbm>> -> memref<128x128xf32, #tpu.memory_space<hbm>>
      %dma_start3A_691 = arith.constant 0 : i32
      %dma_start3A_692 = tpu.memref_slice %arg4[%add3A_683, %dma_start3A_691] : memref<819200x128xf32, #tpu.memory_space<hbm>> -> memref<128x128xf32, #tpu.memory_space<hbm>>
      %dma_start3A_693 = arith.constant 0 : i32
      %dma_start3A_694 = arith.constant 0 : i32
      %dma_start3A_695 = tpu.memref_slice %arg6[%dma_start3A_684, %dma_start3A_693, %dma_start3A_694] : memref<6x128x128xf32, #tpu.memory_space<vmem>> -> memref<1x128x128xf32, #tpu.memory_space<vmem>>
      %dma_start3A_696 = tpu.memref_squeeze %dma_start3A_695 : memref<1x128x128xf32, #tpu.memory_space<vmem>> -> memref<128x128xf32, #tpu.memory_space<vmem>>
      tpu.enqueue_dma source(%dma_start3A_696 : memref<128x128xf32, #tpu.memory_space<vmem>>) target(%dma_start3A_692 : memref<128x128xf32, #tpu.memory_space<hbm>>) target_semaphore(%arg13 : memref<!tpu.dma_semaphore, #tpu.memory_space<semaphore_mem>>)
      %dma_wait3A_697 = arith.constant 3 : i32
      %dma_wait3A_698 = arith.constant 0 : i32
      %dma_wait3A_699 = arith.constant 0 : i32
      %dma_wait3A_700 = tpu.memref_slice %arg6[%dma_wait3A_697, %dma_wait3A_698, %dma_wait3A_699] : memref<6x128x128xf32, #tpu.memory_space<vmem>> -> memref<1x128x128xf32, #tpu.memory_space<vmem>>
      %dma_wait3A_701 = tpu.memref_squeeze %dma_wait3A_700 : memref<1x128x128xf32, #tpu.memory_space<vmem>> -> memref<128x128xf32, #tpu.memory_space<vmem>>
      %dma_wait3A_702 = arith.constant 0 : i32
      %dma_wait3A_703 = arith.constant 0 : i32
      %dma_wait3A_704 = tpu.memref_slice %arg4[%dma_wait3A_702, %dma_wait3A_703] : memref<819200x128xf32, #tpu.memory_space<hbm>> -> memref<128x128xf32, #tpu.memory_space<hbm>>
      %dma_wait3A_705 = arith.constant 0 : i32
      %dma_wait3A_706 = arith.constant 0 : i32
      %dma_wait3A_707 = tpu.memref_slice %arg4[%dma_wait3A_705, %dma_wait3A_706] : memref<819200x128xf32, #tpu.memory_space<hbm>> -> memref<128x128xf32, #tpu.memory_space<hbm>>
      %dma_wait3A_708 = arith.constant 0 : i32
      %dma_wait3A_709 = arith.constant 0 : i32
      %dma_wait3A_710 = tpu.memref_slice %arg6[%dma_wait3A_697, %dma_wait3A_708, %dma_wait3A_709] : memref<6x128x128xf32, #tpu.memory_space<vmem>> -> memref<1x128x128xf32, #tpu.memory_space<vmem>>
      %dma_wait3A_711 = tpu.memref_squeeze %dma_wait3A_710 : memref<1x128x128xf32, #tpu.memory_space<vmem>> -> memref<128x128xf32, #tpu.memory_space<vmem>>
      tpu.wait_dma2 semaphore(%arg16 : memref<!tpu.dma_semaphore, #tpu.memory_space<semaphore_mem>>) src(%dma_wait3A_711 : memref<128x128xf32, #tpu.memory_space<vmem>>) dst(%dma_wait3A_707 : memref<128x128xf32, #tpu.memory_space<hbm>>)
      %add3A_712 = arith.constant 3 : i32
      %add3A_713 = arith.addi %add3A_665, %add3A_712 : i32
      %dma_start3A_714 = arith.constant 3 : i32
      %dma_start3A_715 = arith.constant 0 : i32
      %dma_start3A_716 = arith.constant 0 : i32
      %dma_start3A_717 = tpu.memref_slice %arg6[%dma_start3A_714, %dma_start3A_715, %dma_start3A_716] : memref<6x128x128xf32, #tpu.memory_space<vmem>> -> memref<1x128x128xf32, #tpu.memory_space<vmem>>
      %dma_start3A_718 = tpu.memref_squeeze %dma_start3A_717 : memref<1x128x128xf32, #tpu.memory_space<vmem>> -> memref<128x128xf32, #tpu.memory_space<vmem>>
      %dma_start3A_719 = arith.constant 0 : i32
      %dma_start3A_720 = tpu.memref_slice %arg5[%add3A_713, %dma_start3A_719] : memref<200x128xi32, #tpu.memory_space<vmem>> -> memref<1x128xi32, #tpu.memory_space<vmem>>
      %dma_start3A_721 = tpu.memref_squeeze %dma_start3A_720 : memref<1x128xi32, #tpu.memory_space<vmem>> -> memref<128xi32, #tpu.memory_space<vmem>>
      %dma_start3A_722 = arith.constant 0 : i32
      %dma_start3A_723 = arith.constant 0 : i32
      %dma_start3A_724 = tpu.memref_slice %arg2[%dma_start3A_722, %dma_start3A_723] : memref<100000x128xf32, #tpu.memory_space<hbm>> -> memref<100000x128xf32, #tpu.memory_space<hbm>>
      tpu.enqueue_indirect_dma source(%dma_start3A_724 : memref<100000x128xf32, #tpu.memory_space<hbm>>) target(%dma_start3A_718 : memref<128x128xf32, #tpu.memory_space<vmem>>) offsets(%dma_start3A_721 : memref<128xi32, #tpu.memory_space<vmem>>) semaphore(%arg10 : memref<!tpu.dma_semaphore, #tpu.memory_space<semaphore_mem>>)
      %mul3A_725 = arith.constant 6 : i32
      %mul3A_726 = arith.muli %mul3A_725, %scan3A_464 : i32
      %add3A_727 = arith.constant 3 : i32
      %add3A_728 = arith.addi %mul3A_726, %add3A_727 : i32
      %add3A_729 = arith.constant 4 : i32
      %add3A_730 = arith.addi %add3A_728, %add3A_729 : i32
      %dma_wait3A_731 = arith.constant 1 : i32
      %dma_wait3A_732 = arith.constant 0 : i32
      %dma_wait3A_733 = arith.constant 0 : i32
      %dma_wait3A_734 = tpu.memref_slice %arg6[%dma_wait3A_731, %dma_wait3A_732, %dma_wait3A_733] : memref<6x128x128xf32, #tpu.memory_space<vmem>> -> memref<1x128x128xf32, #tpu.memory_space<vmem>>
      %dma_wait3A_735 = tpu.memref_squeeze %dma_wait3A_734 : memref<1x128x128xf32, #tpu.memory_space<vmem>> -> memref<128x128xf32, #tpu.memory_space<vmem>>
      %dma_wait3A_736 = arith.constant 0 : i32
      %dma_wait3A_737 = arith.constant 0 : i32
      %dma_wait3A_738 = tpu.memref_slice %arg2[%dma_wait3A_736, %dma_wait3A_737] : memref<100000x128xf32, #tpu.memory_space<hbm>> -> memref<128x128xf32, #tpu.memory_space<hbm>>
      %dma_wait3A_739 = arith.constant 0 : i32
      %dma_wait3A_740 = arith.constant 0 : i32
      %dma_wait3A_741 = tpu.memref_slice %arg6[%dma_wait3A_731, %dma_wait3A_739, %dma_wait3A_740] : memref<6x128x128xf32, #tpu.memory_space<vmem>> -> memref<1x128x128xf32, #tpu.memory_space<vmem>>
      %dma_wait3A_742 = tpu.memref_squeeze %dma_wait3A_741 : memref<1x128x128xf32, #tpu.memory_space<vmem>> -> memref<128x128xf32, #tpu.memory_space<vmem>>
      %dma_wait3A_743 = arith.constant 0 : i32
      %dma_wait3A_744 = arith.constant 0 : i32
      %dma_wait3A_745 = tpu.memref_slice %arg2[%dma_wait3A_743, %dma_wait3A_744] : memref<100000x128xf32, #tpu.memory_space<hbm>> -> memref<128x128xf32, #tpu.memory_space<hbm>>
      tpu.wait_dma2 semaphore(%arg8 : memref<!tpu.dma_semaphore, #tpu.memory_space<semaphore_mem>>) src(%dma_wait3A_745 : memref<128x128xf32, #tpu.memory_space<hbm>>) dst(%dma_wait3A_742 : memref<128x128xf32, #tpu.memory_space<vmem>>)
      %mul3A_746 = arith.constant 128 : i32
      %mul3A_747 = arith.muli %add3A_730, %mul3A_746 : i32
      %add3A_748 = arith.addi %mul3A_4, %mul3A_747 : i32
      %dma_start3A_749 = arith.constant 1 : i32
      %dma_start3A_750 = arith.constant 0 : i32
      %dma_start3A_751 = arith.constant 0 : i32
      %dma_start3A_752 = tpu.memref_slice %arg6[%dma_start3A_749, %dma_start3A_750, %dma_start3A_751] : memref<6x128x128xf32, #tpu.memory_space<vmem>> -> memref<1x128x128xf32, #tpu.memory_space<vmem>>
      %dma_start3A_753 = tpu.memref_squeeze %dma_start3A_752 : memref<1x128x128xf32, #tpu.memory_space<vmem>> -> memref<128x128xf32, #tpu.memory_space<vmem>>
      %dma_start3A_754 = arith.constant 0 : i32
      %dma_start3A_755 = tpu.memref_slice %arg4[%add3A_748, %dma_start3A_754] : memref<819200x128xf32, #tpu.memory_space<hbm>> -> memref<128x128xf32, #tpu.memory_space<hbm>>
      %dma_start3A_756 = arith.constant 0 : i32
      %dma_start3A_757 = tpu.memref_slice %arg4[%add3A_748, %dma_start3A_756] : memref<819200x128xf32, #tpu.memory_space<hbm>> -> memref<128x128xf32, #tpu.memory_space<hbm>>
      %dma_start3A_758 = arith.constant 0 : i32
      %dma_start3A_759 = arith.constant 0 : i32
      %dma_start3A_760 = tpu.memref_slice %arg6[%dma_start3A_749, %dma_start3A_758, %dma_start3A_759] : memref<6x128x128xf32, #tpu.memory_space<vmem>> -> memref<1x128x128xf32, #tpu.memory_space<vmem>>
      %dma_start3A_761 = tpu.memref_squeeze %dma_start3A_760 : memref<1x128x128xf32, #tpu.memory_space<vmem>> -> memref<128x128xf32, #tpu.memory_space<vmem>>
      tpu.enqueue_dma source(%dma_start3A_761 : memref<128x128xf32, #tpu.memory_space<vmem>>) target(%dma_start3A_757 : memref<128x128xf32, #tpu.memory_space<hbm>>) target_semaphore(%arg14 : memref<!tpu.dma_semaphore, #tpu.memory_space<semaphore_mem>>)
      %dma_wait3A_762 = arith.constant 4 : i32
      %dma_wait3A_763 = arith.constant 0 : i32
      %dma_wait3A_764 = arith.constant 0 : i32
      %dma_wait3A_765 = tpu.memref_slice %arg6[%dma_wait3A_762, %dma_wait3A_763, %dma_wait3A_764] : memref<6x128x128xf32, #tpu.memory_space<vmem>> -> memref<1x128x128xf32, #tpu.memory_space<vmem>>
      %dma_wait3A_766 = tpu.memref_squeeze %dma_wait3A_765 : memref<1x128x128xf32, #tpu.memory_space<vmem>> -> memref<128x128xf32, #tpu.memory_space<vmem>>
      %dma_wait3A_767 = arith.constant 0 : i32
      %dma_wait3A_768 = arith.constant 0 : i32
      %dma_wait3A_769 = tpu.memref_slice %arg4[%dma_wait3A_767, %dma_wait3A_768] : memref<819200x128xf32, #tpu.memory_space<hbm>> -> memref<128x128xf32, #tpu.memory_space<hbm>>
      %dma_wait3A_770 = arith.constant 0 : i32
      %dma_wait3A_771 = arith.constant 0 : i32
      %dma_wait3A_772 = tpu.memref_slice %arg4[%dma_wait3A_770, %dma_wait3A_771] : memref<819200x128xf32, #tpu.memory_space<hbm>> -> memref<128x128xf32, #tpu.memory_space<hbm>>
      %dma_wait3A_773 = arith.constant 0 : i32
      %dma_wait3A_774 = arith.constant 0 : i32
      %dma_wait3A_775 = tpu.memref_slice %arg6[%dma_wait3A_762, %dma_wait3A_773, %dma_wait3A_774] : memref<6x128x128xf32, #tpu.memory_space<vmem>> -> memref<1x128x128xf32, #tpu.memory_space<vmem>>
      %dma_wait3A_776 = tpu.memref_squeeze %dma_wait3A_775 : memref<1x128x128xf32, #tpu.memory_space<vmem>> -> memref<128x128xf32, #tpu.memory_space<vmem>>
      tpu.wait_dma2 semaphore(%arg17 : memref<!tpu.dma_semaphore, #tpu.memory_space<semaphore_mem>>) src(%dma_wait3A_776 : memref<128x128xf32, #tpu.memory_space<vmem>>) dst(%dma_wait3A_772 : memref<128x128xf32, #tpu.memory_space<hbm>>)
      %add3A_777 = arith.constant 3 : i32
      %add3A_778 = arith.addi %add3A_730, %add3A_777 : i32
      %dma_start3A_779 = arith.constant 4 : i32
      %dma_start3A_780 = arith.constant 0 : i32
      %dma_start3A_781 = arith.constant 0 : i32
      %dma_start3A_782 = tpu.memref_slice %arg6[%dma_start3A_779, %dma_start3A_780, %dma_start3A_781] : memref<6x128x128xf32, #tpu.memory_space<vmem>> -> memref<1x128x128xf32, #tpu.memory_space<vmem>>
      %dma_start3A_783 = tpu.memref_squeeze %dma_start3A_782 : memref<1x128x128xf32, #tpu.memory_space<vmem>> -> memref<128x128xf32, #tpu.memory_space<vmem>>
      %dma_start3A_784 = arith.constant 0 : i32
      %dma_start3A_785 = tpu.memref_slice %arg5[%add3A_778, %dma_start3A_784] : memref<200x128xi32, #tpu.memory_space<vmem>> -> memref<1x128xi32, #tpu.memory_space<vmem>>
      %dma_start3A_786 = tpu.memref_squeeze %dma_start3A_785 : memref<1x128xi32, #tpu.memory_space<vmem>> -> memref<128xi32, #tpu.memory_space<vmem>>
      %dma_start3A_787 = arith.constant 0 : i32
      %dma_start3A_788 = arith.constant 0 : i32
      %dma_start3A_789 = tpu.memref_slice %arg2[%dma_start3A_787, %dma_start3A_788] : memref<100000x128xf32, #tpu.memory_space<hbm>> -> memref<100000x128xf32, #tpu.memory_space<hbm>>
      tpu.enqueue_indirect_dma source(%dma_start3A_789 : memref<100000x128xf32, #tpu.memory_space<hbm>>) target(%dma_start3A_783 : memref<128x128xf32, #tpu.memory_space<vmem>>) offsets(%dma_start3A_786 : memref<128xi32, #tpu.memory_space<vmem>>) semaphore(%arg11 : memref<!tpu.dma_semaphore, #tpu.memory_space<semaphore_mem>>)
      %mul3A_790 = arith.constant 6 : i32
      %mul3A_791 = arith.muli %mul3A_790, %scan3A_464 : i32
      %add3A_792 = arith.constant 3 : i32
      %add3A_793 = arith.addi %mul3A_791, %add3A_792 : i32
      %add3A_794 = arith.constant 5 : i32
      %add3A_795 = arith.addi %add3A_793, %add3A_794 : i32
      %dma_wait3A_796 = arith.constant 2 : i32
      %dma_wait3A_797 = arith.constant 0 : i32
      %dma_wait3A_798 = arith.constant 0 : i32
      %dma_wait3A_799 = tpu.memref_slice %arg6[%dma_wait3A_796, %dma_wait3A_797, %dma_wait3A_798] : memref<6x128x128xf32, #tpu.memory_space<vmem>> -> memref<1x128x128xf32, #tpu.memory_space<vmem>>
      %dma_wait3A_800 = tpu.memref_squeeze %dma_wait3A_799 : memref<1x128x128xf32, #tpu.memory_space<vmem>> -> memref<128x128xf32, #tpu.memory_space<vmem>>
      %dma_wait3A_801 = arith.constant 0 : i32
      %dma_wait3A_802 = arith.constant 0 : i32
      %dma_wait3A_803 = tpu.memref_slice %arg2[%dma_wait3A_801, %dma_wait3A_802] : memref<100000x128xf32, #tpu.memory_space<hbm>> -> memref<128x128xf32, #tpu.memory_space<hbm>>
      %dma_wait3A_804 = arith.constant 0 : i32
      %dma_wait3A_805 = arith.constant 0 : i32
      %dma_wait3A_806 = tpu.memref_slice %arg6[%dma_wait3A_796, %dma_wait3A_804, %dma_wait3A_805] : memref<6x128x128xf32, #tpu.memory_space<vmem>> -> memref<1x128x128xf32, #tpu.memory_space<vmem>>
      %dma_wait3A_807 = tpu.memref_squeeze %dma_wait3A_806 : memref<1x128x128xf32, #tpu.memory_space<vmem>> -> memref<128x128xf32, #tpu.memory_space<vmem>>
      %dma_wait3A_808 = arith.constant 0 : i32
      %dma_wait3A_809 = arith.constant 0 : i32
      %dma_wait3A_810 = tpu.memref_slice %arg2[%dma_wait3A_808, %dma_wait3A_809] : memref<100000x128xf32, #tpu.memory_space<hbm>> -> memref<128x128xf32, #tpu.memory_space<hbm>>
      tpu.wait_dma2 semaphore(%arg9 : memref<!tpu.dma_semaphore, #tpu.memory_space<semaphore_mem>>) src(%dma_wait3A_810 : memref<128x128xf32, #tpu.memory_space<hbm>>) dst(%dma_wait3A_807 : memref<128x128xf32, #tpu.memory_space<vmem>>)
      %mul3A_811 = arith.constant 128 : i32
      %mul3A_812 = arith.muli %add3A_795, %mul3A_811 : i32
      %add3A_813 = arith.addi %mul3A_4, %mul3A_812 : i32
      %dma_start3A_814 = arith.constant 2 : i32
      %dma_start3A_815 = arith.constant 0 : i32
      %dma_start3A_816 = arith.constant 0 : i32
      %dma_start3A_817 = tpu.memref_slice %arg6[%dma_start3A_814, %dma_start3A_815, %dma_start3A_816] : memref<6x128x128xf32, #tpu.memory_space<vmem>> -> memref<1x128x128xf32, #tpu.memory_space<vmem>>
      %dma_start3A_818 = tpu.memref_squeeze %dma_start3A_817 : memref<1x128x128xf32, #tpu.memory_space<vmem>> -> memref<128x128xf32, #tpu.memory_space<vmem>>
      %dma_start3A_819 = arith.constant 0 : i32
      %dma_start3A_820 = tpu.memref_slice %arg4[%add3A_813, %dma_start3A_819] : memref<819200x128xf32, #tpu.memory_space<hbm>> -> memref<128x128xf32, #tpu.memory_space<hbm>>
      %dma_start3A_821 = arith.constant 0 : i32
      %dma_start3A_822 = tpu.memref_slice %arg4[%add3A_813, %dma_start3A_821] : memref<819200x128xf32, #tpu.memory_space<hbm>> -> memref<128x128xf32, #tpu.memory_space<hbm>>
      %dma_start3A_823 = arith.constant 0 : i32
      %dma_start3A_824 = arith.constant 0 : i32
      %dma_start3A_825 = tpu.memref_slice %arg6[%dma_start3A_814, %dma_start3A_823, %dma_start3A_824] : memref<6x128x128xf32, #tpu.memory_space<vmem>> -> memref<1x128x128xf32, #tpu.memory_space<vmem>>
      %dma_start3A_826 = tpu.memref_squeeze %dma_start3A_825 : memref<1x128x128xf32, #tpu.memory_space<vmem>> -> memref<128x128xf32, #tpu.memory_space<vmem>>
      tpu.enqueue_dma source(%dma_start3A_826 : memref<128x128xf32, #tpu.memory_space<vmem>>) target(%dma_start3A_822 : memref<128x128xf32, #tpu.memory_space<hbm>>) target_semaphore(%arg15 : memref<!tpu.dma_semaphore, #tpu.memory_space<semaphore_mem>>)
      %dma_wait3A_827 = arith.constant 5 : i32
      %dma_wait3A_828 = arith.constant 0 : i32
      %dma_wait3A_829 = arith.constant 0 : i32
      %dma_wait3A_830 = tpu.memref_slice %arg6[%dma_wait3A_827, %dma_wait3A_828, %dma_wait3A_829] : memref<6x128x128xf32, #tpu.memory_space<vmem>> -> memref<1x128x128xf32, #tpu.memory_space<vmem>>
      %dma_wait3A_831 = tpu.memref_squeeze %dma_wait3A_830 : memref<1x128x128xf32, #tpu.memory_space<vmem>> -> memref<128x128xf32, #tpu.memory_space<vmem>>
      %dma_wait3A_832 = arith.constant 0 : i32
      %dma_wait3A_833 = arith.constant 0 : i32
      %dma_wait3A_834 = tpu.memref_slice %arg4[%dma_wait3A_832, %dma_wait3A_833] : memref<819200x128xf32, #tpu.memory_space<hbm>> -> memref<128x128xf32, #tpu.memory_space<hbm>>
      %dma_wait3A_835 = arith.constant 0 : i32
      %dma_wait3A_836 = arith.constant 0 : i32
      %dma_wait3A_837 = tpu.memref_slice %arg4[%dma_wait3A_835, %dma_wait3A_836] : memref<819200x128xf32, #tpu.memory_space<hbm>> -> memref<128x128xf32, #tpu.memory_space<hbm>>
      %dma_wait3A_838 = arith.constant 0 : i32
      %dma_wait3A_839 = arith.constant 0 : i32
      %dma_wait3A_840 = tpu.memref_slice %arg6[%dma_wait3A_827, %dma_wait3A_838, %dma_wait3A_839] : memref<6x128x128xf32, #tpu.memory_space<vmem>> -> memref<1x128x128xf32, #tpu.memory_space<vmem>>
      %dma_wait3A_841 = tpu.memref_squeeze %dma_wait3A_840 : memref<1x128x128xf32, #tpu.memory_space<vmem>> -> memref<128x128xf32, #tpu.memory_space<vmem>>
      tpu.wait_dma2 semaphore(%arg18 : memref<!tpu.dma_semaphore, #tpu.memory_space<semaphore_mem>>) src(%dma_wait3A_841 : memref<128x128xf32, #tpu.memory_space<vmem>>) dst(%dma_wait3A_837 : memref<128x128xf32, #tpu.memory_space<hbm>>)
      %add3A_842 = arith.constant 3 : i32
      %add3A_843 = arith.addi %add3A_795, %add3A_842 : i32
      %dma_start3A_844 = arith.constant 5 : i32
      %dma_start3A_845 = arith.constant 0 : i32
      %dma_start3A_846 = arith.constant 0 : i32
      %dma_start3A_847 = tpu.memref_slice %arg6[%dma_start3A_844, %dma_start3A_845, %dma_start3A_846] : memref<6x128x128xf32, #tpu.memory_space<vmem>> -> memref<1x128x128xf32, #tpu.memory_space<vmem>>
      %dma_start3A_848 = tpu.memref_squeeze %dma_start3A_847 : memref<1x128x128xf32, #tpu.memory_space<vmem>> -> memref<128x128xf32, #tpu.memory_space<vmem>>
      %dma_start3A_849 = arith.constant 0 : i32
      %dma_start3A_850 = tpu.memref_slice %arg5[%add3A_843, %dma_start3A_849] : memref<200x128xi32, #tpu.memory_space<vmem>> -> memref<1x128xi32, #tpu.memory_space<vmem>>
      %dma_start3A_851 = tpu.memref_squeeze %dma_start3A_850 : memref<1x128xi32, #tpu.memory_space<vmem>> -> memref<128xi32, #tpu.memory_space<vmem>>
      %dma_start3A_852 = arith.constant 0 : i32
      %dma_start3A_853 = arith.constant 0 : i32
      %dma_start3A_854 = tpu.memref_slice %arg2[%dma_start3A_852, %dma_start3A_853] : memref<100000x128xf32, #tpu.memory_space<hbm>> -> memref<100000x128xf32, #tpu.memory_space<hbm>>
      tpu.enqueue_indirect_dma source(%dma_start3A_854 : memref<100000x128xf32, #tpu.memory_space<hbm>>) target(%dma_start3A_848 : memref<128x128xf32, #tpu.memory_space<vmem>>) offsets(%dma_start3A_851 : memref<128xi32, #tpu.memory_space<vmem>>) semaphore(%arg12 : memref<!tpu.dma_semaphore, #tpu.memory_space<semaphore_mem>>)
    }
    %scan3A_169 = arith.constant 32 : i32
    %dma_wait3A_170 = arith.constant 3 : i32
    %dma_wait3A_171 = arith.constant 0 : i32
    %dma_wait3A_172 = arith.constant 0 : i32
    %dma_wait3A_173 = tpu.memref_slice %arg6[%dma_wait3A_170, %dma_wait3A_171, %dma_wait3A_172] : memref<6x128x128xf32, #tpu.memory_space<vmem>> -> memref<1x128x128xf32, #tpu.memory_space<vmem>>
    %dma_wait3A_174 = tpu.memref_squeeze %dma_wait3A_173 : memref<1x128x128xf32, #tpu.memory_space<vmem>> -> memref<128x128xf32, #tpu.memory_space<vmem>>
    %dma_wait3A_175 = arith.constant 0 : i32
    %dma_wait3A_176 = arith.constant 0 : i32
    %dma_wait3A_177 = tpu.memref_slice %arg2[%dma_wait3A_175, %dma_wait3A_176] : memref<100000x128xf32, #tpu.memory_space<hbm>> -> memref<128x128xf32, #tpu.memory_space<hbm>>
    %dma_wait3A_178 = arith.constant 0 : i32
    %dma_wait3A_179 = arith.constant 0 : i32
    %dma_wait3A_180 = tpu.memref_slice %arg6[%dma_wait3A_170, %dma_wait3A_178, %dma_wait3A_179] : memref<6x128x128xf32, #tpu.memory_space<vmem>> -> memref<1x128x128xf32, #tpu.memory_space<vmem>>
    %dma_wait3A_181 = tpu.memref_squeeze %dma_wait3A_180 : memref<1x128x128xf32, #tpu.memory_space<vmem>> -> memref<128x128xf32, #tpu.memory_space<vmem>>
    %dma_wait3A_182 = arith.constant 0 : i32
    %dma_wait3A_183 = arith.constant 0 : i32
    %dma_wait3A_184 = tpu.memref_slice %arg2[%dma_wait3A_182, %dma_wait3A_183] : memref<100000x128xf32, #tpu.memory_space<hbm>> -> memref<128x128xf32, #tpu.memory_space<hbm>>
    tpu.wait_dma2 semaphore(%arg10 : memref<!tpu.dma_semaphore, #tpu.memory_space<semaphore_mem>>) src(%dma_wait3A_184 : memref<128x128xf32, #tpu.memory_space<hbm>>) dst(%dma_wait3A_181 : memref<128x128xf32, #tpu.memory_space<vmem>>)
    %add3A_185 = arith.constant 24960 : i32
    %add3A_186 = arith.addi %mul3A_4, %add3A_185 : i32
    %dma_start3A_187 = arith.constant 3 : i32
    %dma_start3A_188 = arith.constant 0 : i32
    %dma_start3A_189 = arith.constant 0 : i32
    %dma_start3A_190 = tpu.memref_slice %arg6[%dma_start3A_187, %dma_start3A_188, %dma_start3A_189] : memref<6x128x128xf32, #tpu.memory_space<vmem>> -> memref<1x128x128xf32, #tpu.memory_space<vmem>>
    %dma_start3A_191 = tpu.memref_squeeze %dma_start3A_190 : memref<1x128x128xf32, #tpu.memory_space<vmem>> -> memref<128x128xf32, #tpu.memory_space<vmem>>
    %dma_start3A_192 = arith.constant 0 : i32
    %dma_start3A_193 = tpu.memref_slice %arg4[%add3A_186, %dma_start3A_192] : memref<819200x128xf32, #tpu.memory_space<hbm>> -> memref<128x128xf32, #tpu.memory_space<hbm>>
    %dma_start3A_194 = arith.constant 0 : i32
    %dma_start3A_195 = tpu.memref_slice %arg4[%add3A_186, %dma_start3A_194] : memref<819200x128xf32, #tpu.memory_space<hbm>> -> memref<128x128xf32, #tpu.memory_space<hbm>>
    %dma_start3A_196 = arith.constant 0 : i32
    %dma_start3A_197 = arith.constant 0 : i32
    %dma_start3A_198 = tpu.memref_slice %arg6[%dma_start3A_187, %dma_start3A_196, %dma_start3A_197] : memref<6x128x128xf32, #tpu.memory_space<vmem>> -> memref<1x128x128xf32, #tpu.memory_space<vmem>>
    %dma_start3A_199 = tpu.memref_squeeze %dma_start3A_198 : memref<1x128x128xf32, #tpu.memory_space<vmem>> -> memref<128x128xf32, #tpu.memory_space<vmem>>
    tpu.enqueue_dma source(%dma_start3A_199 : memref<128x128xf32, #tpu.memory_space<vmem>>) target(%dma_start3A_195 : memref<128x128xf32, #tpu.memory_space<hbm>>) target_semaphore(%arg16 : memref<!tpu.dma_semaphore, #tpu.memory_space<semaphore_mem>>)
    %dma_wait3A_200 = arith.constant 0 : i32
    %dma_wait3A_201 = arith.constant 0 : i32
    %dma_wait3A_202 = arith.constant 0 : i32
    %dma_wait3A_203 = tpu.memref_slice %arg6[%dma_wait3A_200, %dma_wait3A_201, %dma_wait3A_202] : memref<6x128x128xf32, #tpu.memory_space<vmem>> -> memref<1x128x128xf32, #tpu.memory_space<vmem>>
    %dma_wait3A_204 = tpu.memref_squeeze %dma_wait3A_203 : memref<1x128x128xf32, #tpu.memory_space<vmem>> -> memref<128x128xf32, #tpu.memory_space<vmem>>
    %dma_wait3A_205 = arith.constant 0 : i32
    %dma_wait3A_206 = arith.constant 0 : i32
    %dma_wait3A_207 = tpu.memref_slice %arg4[%dma_wait3A_205, %dma_wait3A_206] : memref<819200x128xf32, #tpu.memory_space<hbm>> -> memref<128x128xf32, #tpu.memory_space<hbm>>
    %dma_wait3A_208 = arith.constant 0 : i32
    %dma_wait3A_209 = arith.constant 0 : i32
    %dma_wait3A_210 = tpu.memref_slice %arg4[%dma_wait3A_208, %dma_wait3A_209] : memref<819200x128xf32, #tpu.memory_space<hbm>> -> memref<128x128xf32, #tpu.memory_space<hbm>>
    %dma_wait3A_211 = arith.constant 0 : i32
    %dma_wait3A_212 = arith.constant 0 : i32
    %dma_wait3A_213 = tpu.memref_slice %arg6[%dma_wait3A_200, %dma_wait3A_211, %dma_wait3A_212] : memref<6x128x128xf32, #tpu.memory_space<vmem>> -> memref<1x128x128xf32, #tpu.memory_space<vmem>>
    %dma_wait3A_214 = tpu.memref_squeeze %dma_wait3A_213 : memref<1x128x128xf32, #tpu.memory_space<vmem>> -> memref<128x128xf32, #tpu.memory_space<vmem>>
    tpu.wait_dma2 semaphore(%arg13 : memref<!tpu.dma_semaphore, #tpu.memory_space<semaphore_mem>>) src(%dma_wait3A_214 : memref<128x128xf32, #tpu.memory_space<vmem>>) dst(%dma_wait3A_210 : memref<128x128xf32, #tpu.memory_space<hbm>>)
    %dma_start3A_215 = arith.constant 198 : i32
    %dma_start3A_216 = arith.constant 0 : i32
    %dma_start3A_217 = arith.constant 0 : i32
    %dma_start3A_218 = arith.constant 0 : i32
    %dma_start3A_219 = tpu.memref_slice %arg6[%dma_start3A_216, %dma_start3A_217, %dma_start3A_218] : memref<6x128x128xf32, #tpu.memory_space<vmem>> -> memref<1x128x128xf32, #tpu.memory_space<vmem>>
    %dma_start3A_220 = tpu.memref_squeeze %dma_start3A_219 : memref<1x128x128xf32, #tpu.memory_space<vmem>> -> memref<128x128xf32, #tpu.memory_space<vmem>>
    %dma_start3A_221 = arith.constant 0 : i32
    %dma_start3A_222 = tpu.memref_slice %arg5[%dma_start3A_215, %dma_start3A_221] : memref<200x128xi32, #tpu.memory_space<vmem>> -> memref<1x128xi32, #tpu.memory_space<vmem>>
    %dma_start3A_223 = tpu.memref_squeeze %dma_start3A_222 : memref<1x128xi32, #tpu.memory_space<vmem>> -> memref<128xi32, #tpu.memory_space<vmem>>
    %dma_start3A_224 = arith.constant 0 : i32
    %dma_start3A_225 = arith.constant 0 : i32
    %dma_start3A_226 = tpu.memref_slice %arg2[%dma_start3A_224, %dma_start3A_225] : memref<100000x128xf32, #tpu.memory_space<hbm>> -> memref<100000x128xf32, #tpu.memory_space<hbm>>
    tpu.enqueue_indirect_dma source(%dma_start3A_226 : memref<100000x128xf32, #tpu.memory_space<hbm>>) target(%dma_start3A_220 : memref<128x128xf32, #tpu.memory_space<vmem>>) offsets(%dma_start3A_223 : memref<128xi32, #tpu.memory_space<vmem>>) semaphore(%arg7 : memref<!tpu.dma_semaphore, #tpu.memory_space<semaphore_mem>>)
    %dma_wait3A_227 = arith.constant 4 : i32
    %dma_wait3A_228 = arith.constant 0 : i32
    %dma_wait3A_229 = arith.constant 0 : i32
    %dma_wait3A_230 = tpu.memref_slice %arg6[%dma_wait3A_227, %dma_wait3A_228, %dma_wait3A_229] : memref<6x128x128xf32, #tpu.memory_space<vmem>> -> memref<1x128x128xf32, #tpu.memory_space<vmem>>
    %dma_wait3A_231 = tpu.memref_squeeze %dma_wait3A_230 : memref<1x128x128xf32, #tpu.memory_space<vmem>> -> memref<128x128xf32, #tpu.memory_space<vmem>>
    %dma_wait3A_232 = arith.constant 0 : i32
    %dma_wait3A_233 = arith.constant 0 : i32
    %dma_wait3A_234 = tpu.memref_slice %arg2[%dma_wait3A_232, %dma_wait3A_233] : memref<100000x128xf32, #tpu.memory_space<hbm>> -> memref<128x128xf32, #tpu.memory_space<hbm>>
    %dma_wait3A_235 = arith.constant 0 : i32
    %dma_wait3A_236 = arith.constant 0 : i32
    %dma_wait3A_237 = tpu.memref_slice %arg6[%dma_wait3A_227, %dma_wait3A_235, %dma_wait3A_236] : memref<6x128x128xf32, #tpu.memory_space<vmem>> -> memref<1x128x128xf32, #tpu.memory_space<vmem>>
    %dma_wait3A_238 = tpu.memref_squeeze %dma_wait3A_237 : memref<1x128x128xf32, #tpu.memory_space<vmem>> -> memref<128x128xf32, #tpu.memory_space<vmem>>
    %dma_wait3A_239 = arith.constant 0 : i32
    %dma_wait3A_240 = arith.constant 0 : i32
    %dma_wait3A_241 = tpu.memref_slice %arg2[%dma_wait3A_239, %dma_wait3A_240] : memref<100000x128xf32, #tpu.memory_space<hbm>> -> memref<128x128xf32, #tpu.memory_space<hbm>>
    tpu.wait_dma2 semaphore(%arg11 : memref<!tpu.dma_semaphore, #tpu.memory_space<semaphore_mem>>) src(%dma_wait3A_241 : memref<128x128xf32, #tpu.memory_space<hbm>>) dst(%dma_wait3A_238 : memref<128x128xf32, #tpu.memory_space<vmem>>)
    %add3A_242 = arith.constant 25088 : i32
    %add3A_243 = arith.addi %mul3A_4, %add3A_242 : i32
    %dma_start3A_244 = arith.constant 4 : i32
    %dma_start3A_245 = arith.constant 0 : i32
    %dma_start3A_246 = arith.constant 0 : i32
    %dma_start3A_247 = tpu.memref_slice %arg6[%dma_start3A_244, %dma_start3A_245, %dma_start3A_246] : memref<6x128x128xf32, #tpu.memory_space<vmem>> -> memref<1x128x128xf32, #tpu.memory_space<vmem>>
    %dma_start3A_248 = tpu.memref_squeeze %dma_start3A_247 : memref<1x128x128xf32, #tpu.memory_space<vmem>> -> memref<128x128xf32, #tpu.memory_space<vmem>>
    %dma_start3A_249 = arith.constant 0 : i32
    %dma_start3A_250 = tpu.memref_slice %arg4[%add3A_243, %dma_start3A_249] : memref<819200x128xf32, #tpu.memory_space<hbm>> -> memref<128x128xf32, #tpu.memory_space<hbm>>
    %dma_start3A_251 = arith.constant 0 : i32
    %dma_start3A_252 = tpu.memref_slice %arg4[%add3A_243, %dma_start3A_251] : memref<819200x128xf32, #tpu.memory_space<hbm>> -> memref<128x128xf32, #tpu.memory_space<hbm>>
    %dma_start3A_253 = arith.constant 0 : i32
    %dma_start3A_254 = arith.constant 0 : i32
    %dma_start3A_255 = tpu.memref_slice %arg6[%dma_start3A_244, %dma_start3A_253, %dma_start3A_254] : memref<6x128x128xf32, #tpu.memory_space<vmem>> -> memref<1x128x128xf32, #tpu.memory_space<vmem>>
    %dma_start3A_256 = tpu.memref_squeeze %dma_start3A_255 : memref<1x128x128xf32, #tpu.memory_space<vmem>> -> memref<128x128xf32, #tpu.memory_space<vmem>>
    tpu.enqueue_dma source(%dma_start3A_256 : memref<128x128xf32, #tpu.memory_space<vmem>>) target(%dma_start3A_252 : memref<128x128xf32, #tpu.memory_space<hbm>>) target_semaphore(%arg17 : memref<!tpu.dma_semaphore, #tpu.memory_space<semaphore_mem>>)
    %dma_wait3A_257 = arith.constant 1 : i32
    %dma_wait3A_258 = arith.constant 0 : i32
    %dma_wait3A_259 = arith.constant 0 : i32
    %dma_wait3A_260 = tpu.memref_slice %arg6[%dma_wait3A_257, %dma_wait3A_258, %dma_wait3A_259] : memref<6x128x128xf32, #tpu.memory_space<vmem>> -> memref<1x128x128xf32, #tpu.memory_space<vmem>>
    %dma_wait3A_261 = tpu.memref_squeeze %dma_wait3A_260 : memref<1x128x128xf32, #tpu.memory_space<vmem>> -> memref<128x128xf32, #tpu.memory_space<vmem>>
    %dma_wait3A_262 = arith.constant 0 : i32
    %dma_wait3A_263 = arith.constant 0 : i32
    %dma_wait3A_264 = tpu.memref_slice %arg4[%dma_wait3A_262, %dma_wait3A_263] : memref<819200x128xf32, #tpu.memory_space<hbm>> -> memref<128x128xf32, #tpu.memory_space<hbm>>
    %dma_wait3A_265 = arith.constant 0 : i32
    %dma_wait3A_266 = arith.constant 0 : i32
    %dma_wait3A_267 = tpu.memref_slice %arg4[%dma_wait3A_265, %dma_wait3A_266] : memref<819200x128xf32, #tpu.memory_space<hbm>> -> memref<128x128xf32, #tpu.memory_space<hbm>>
    %dma_wait3A_268 = arith.constant 0 : i32
    %dma_wait3A_269 = arith.constant 0 : i32
    %dma_wait3A_270 = tpu.memref_slice %arg6[%dma_wait3A_257, %dma_wait3A_268, %dma_wait3A_269] : memref<6x128x128xf32, #tpu.memory_space<vmem>> -> memref<1x128x128xf32, #tpu.memory_space<vmem>>
    %dma_wait3A_271 = tpu.memref_squeeze %dma_wait3A_270 : memref<1x128x128xf32, #tpu.memory_space<vmem>> -> memref<128x128xf32, #tpu.memory_space<vmem>>
    tpu.wait_dma2 semaphore(%arg14 : memref<!tpu.dma_semaphore, #tpu.memory_space<semaphore_mem>>) src(%dma_wait3A_271 : memref<128x128xf32, #tpu.memory_space<vmem>>) dst(%dma_wait3A_267 : memref<128x128xf32, #tpu.memory_space<hbm>>)
    %dma_start3A_272 = arith.constant 199 : i32
    %dma_start3A_273 = arith.constant 1 : i32
    %dma_start3A_274 = arith.constant 0 : i32
    %dma_start3A_275 = arith.constant 0 : i32
    %dma_start3A_276 = tpu.memref_slice %arg6[%dma_start3A_273, %dma_start3A_274, %dma_start3A_275] : memref<6x128x128xf32, #tpu.memory_space<vmem>> -> memref<1x128x128xf32, #tpu.memory_space<vmem>>
    %dma_start3A_277 = tpu.memref_squeeze %dma_start3A_276 : memref<1x128x128xf32, #tpu.memory_space<vmem>> -> memref<128x128xf32, #tpu.memory_space<vmem>>
    %dma_start3A_278 = arith.constant 0 : i32
    %dma_start3A_279 = tpu.memref_slice %arg5[%dma_start3A_272, %dma_start3A_278] : memref<200x128xi32, #tpu.memory_space<vmem>> -> memref<1x128xi32, #tpu.memory_space<vmem>>
    %dma_start3A_280 = tpu.memref_squeeze %dma_start3A_279 : memref<1x128xi32, #tpu.memory_space<vmem>> -> memref<128xi32, #tpu.memory_space<vmem>>
    %dma_start3A_281 = arith.constant 0 : i32
    %dma_start3A_282 = arith.constant 0 : i32
    %dma_start3A_283 = tpu.memref_slice %arg2[%dma_start3A_281, %dma_start3A_282] : memref<100000x128xf32, #tpu.memory_space<hbm>> -> memref<100000x128xf32, #tpu.memory_space<hbm>>
    tpu.enqueue_indirect_dma source(%dma_start3A_283 : memref<100000x128xf32, #tpu.memory_space<hbm>>) target(%dma_start3A_277 : memref<128x128xf32, #tpu.memory_space<vmem>>) offsets(%dma_start3A_280 : memref<128xi32, #tpu.memory_space<vmem>>) semaphore(%arg8 : memref<!tpu.dma_semaphore, #tpu.memory_space<semaphore_mem>>)
    %dma_wait3A_284 = arith.constant 5 : i32
    %dma_wait3A_285 = arith.constant 0 : i32
    %dma_wait3A_286 = arith.constant 0 : i32
    %dma_wait3A_287 = tpu.memref_slice %arg6[%dma_wait3A_284, %dma_wait3A_285, %dma_wait3A_286] : memref<6x128x128xf32, #tpu.memory_space<vmem>> -> memref<1x128x128xf32, #tpu.memory_space<vmem>>
    %dma_wait3A_288 = tpu.memref_squeeze %dma_wait3A_287 : memref<1x128x128xf32, #tpu.memory_space<vmem>> -> memref<128x128xf32, #tpu.memory_space<vmem>>
    %dma_wait3A_289 = arith.constant 0 : i32
    %dma_wait3A_290 = arith.constant 0 : i32
    %dma_wait3A_291 = tpu.memref_slice %arg2[%dma_wait3A_289, %dma_wait3A_290] : memref<100000x128xf32, #tpu.memory_space<hbm>> -> memref<128x128xf32, #tpu.memory_space<hbm>>
    %dma_wait3A_292 = arith.constant 0 : i32
    %dma_wait3A_293 = arith.constant 0 : i32
    %dma_wait3A_294 = tpu.memref_slice %arg6[%dma_wait3A_284, %dma_wait3A_292, %dma_wait3A_293] : memref<6x128x128xf32, #tpu.memory_space<vmem>> -> memref<1x128x128xf32, #tpu.memory_space<vmem>>
    %dma_wait3A_295 = tpu.memref_squeeze %dma_wait3A_294 : memref<1x128x128xf32, #tpu.memory_space<vmem>> -> memref<128x128xf32, #tpu.memory_space<vmem>>
    %dma_wait3A_296 = arith.constant 0 : i32
    %dma_wait3A_297 = arith.constant 0 : i32
    %dma_wait3A_298 = tpu.memref_slice %arg2[%dma_wait3A_296, %dma_wait3A_297] : memref<100000x128xf32, #tpu.memory_space<hbm>> -> memref<128x128xf32, #tpu.memory_space<hbm>>
    tpu.wait_dma2 semaphore(%arg12 : memref<!tpu.dma_semaphore, #tpu.memory_space<semaphore_mem>>) src(%dma_wait3A_298 : memref<128x128xf32, #tpu.memory_space<hbm>>) dst(%dma_wait3A_295 : memref<128x128xf32, #tpu.memory_space<vmem>>)
    %add3A_299 = arith.constant 25216 : i32
    %add3A_300 = arith.addi %mul3A_4, %add3A_299 : i32
    %dma_start3A_301 = arith.constant 5 : i32
    %dma_start3A_302 = arith.constant 0 : i32
    %dma_start3A_303 = arith.constant 0 : i32
    %dma_start3A_304 = tpu.memref_slice %arg6[%dma_start3A_301, %dma_start3A_302, %dma_start3A_303] : memref<6x128x128xf32, #tpu.memory_space<vmem>> -> memref<1x128x128xf32, #tpu.memory_space<vmem>>
    %dma_start3A_305 = tpu.memref_squeeze %dma_start3A_304 : memref<1x128x128xf32, #tpu.memory_space<vmem>> -> memref<128x128xf32, #tpu.memory_space<vmem>>
    %dma_start3A_306 = arith.constant 0 : i32
    %dma_start3A_307 = tpu.memref_slice %arg4[%add3A_300, %dma_start3A_306] : memref<819200x128xf32, #tpu.memory_space<hbm>> -> memref<128x128xf32, #tpu.memory_space<hbm>>
    %dma_start3A_308 = arith.constant 0 : i32
    %dma_start3A_309 = tpu.memref_slice %arg4[%add3A_300, %dma_start3A_308] : memref<819200x128xf32, #tpu.memory_space<hbm>> -> memref<128x128xf32, #tpu.memory_space<hbm>>
    %dma_start3A_310 = arith.constant 0 : i32
    %dma_start3A_311 = arith.constant 0 : i32
    %dma_start3A_312 = tpu.memref_slice %arg6[%dma_start3A_301, %dma_start3A_310, %dma_start3A_311] : memref<6x128x128xf32, #tpu.memory_space<vmem>> -> memref<1x128x128xf32, #tpu.memory_space<vmem>>
    %dma_start3A_313 = tpu.memref_squeeze %dma_start3A_312 : memref<1x128x128xf32, #tpu.memory_space<vmem>> -> memref<128x128xf32, #tpu.memory_space<vmem>>
    tpu.enqueue_dma source(%dma_start3A_313 : memref<128x128xf32, #tpu.memory_space<vmem>>) target(%dma_start3A_309 : memref<128x128xf32, #tpu.memory_space<hbm>>) target_semaphore(%arg18 : memref<!tpu.dma_semaphore, #tpu.memory_space<semaphore_mem>>)
    %dma_wait3A_314 = arith.constant 0 : i32
    %dma_wait3A_315 = arith.constant 0 : i32
    %dma_wait3A_316 = arith.constant 0 : i32
    %dma_wait3A_317 = tpu.memref_slice %arg6[%dma_wait3A_314, %dma_wait3A_315, %dma_wait3A_316] : memref<6x128x128xf32, #tpu.memory_space<vmem>> -> memref<1x128x128xf32, #tpu.memory_space<vmem>>
    %dma_wait3A_318 = tpu.memref_squeeze %dma_wait3A_317 : memref<1x128x128xf32, #tpu.memory_space<vmem>> -> memref<128x128xf32, #tpu.memory_space<vmem>>
    %dma_wait3A_319 = arith.constant 0 : i32
    %dma_wait3A_320 = arith.constant 0 : i32
    %dma_wait3A_321 = tpu.memref_slice %arg2[%dma_wait3A_319, %dma_wait3A_320] : memref<100000x128xf32, #tpu.memory_space<hbm>> -> memref<128x128xf32, #tpu.memory_space<hbm>>
    %dma_wait3A_322 = arith.constant 0 : i32
    %dma_wait3A_323 = arith.constant 0 : i32
    %dma_wait3A_324 = tpu.memref_slice %arg6[%dma_wait3A_314, %dma_wait3A_322, %dma_wait3A_323] : memref<6x128x128xf32, #tpu.memory_space<vmem>> -> memref<1x128x128xf32, #tpu.memory_space<vmem>>
    %dma_wait3A_325 = tpu.memref_squeeze %dma_wait3A_324 : memref<1x128x128xf32, #tpu.memory_space<vmem>> -> memref<128x128xf32, #tpu.memory_space<vmem>>
    %dma_wait3A_326 = arith.constant 0 : i32
    %dma_wait3A_327 = arith.constant 0 : i32
    %dma_wait3A_328 = tpu.memref_slice %arg2[%dma_wait3A_326, %dma_wait3A_327] : memref<100000x128xf32, #tpu.memory_space<hbm>> -> memref<128x128xf32, #tpu.memory_space<hbm>>
    tpu.wait_dma2 semaphore(%arg7 : memref<!tpu.dma_semaphore, #tpu.memory_space<semaphore_mem>>) src(%dma_wait3A_328 : memref<128x128xf32, #tpu.memory_space<hbm>>) dst(%dma_wait3A_325 : memref<128x128xf32, #tpu.memory_space<vmem>>)
    %add3A_329 = arith.constant 25344 : i32
    %add3A_330 = arith.addi %mul3A_4, %add3A_329 : i32
    %dma_start3A_331 = arith.constant 0 : i32
    %dma_start3A_332 = arith.constant 0 : i32
    %dma_start3A_333 = arith.constant 0 : i32
    %dma_start3A_334 = tpu.memref_slice %arg6[%dma_start3A_331, %dma_start3A_332, %dma_start3A_333] : memref<6x128x128xf32, #tpu.memory_space<vmem>> -> memref<1x128x128xf32, #tpu.memory_space<vmem>>
    %dma_start3A_335 = tpu.memref_squeeze %dma_start3A_334 : memref<1x128x128xf32, #tpu.memory_space<vmem>> -> memref<128x128xf32, #tpu.memory_space<vmem>>
    %dma_start3A_336 = arith.constant 0 : i32
    %dma_start3A_337 = tpu.memref_slice %arg4[%add3A_330, %dma_start3A_336] : memref<819200x128xf32, #tpu.memory_space<hbm>> -> memref<128x128xf32, #tpu.memory_space<hbm>>
    %dma_start3A_338 = arith.constant 0 : i32
    %dma_start3A_339 = tpu.memref_slice %arg4[%add3A_330, %dma_start3A_338] : memref<819200x128xf32, #tpu.memory_space<hbm>> -> memref<128x128xf32, #tpu.memory_space<hbm>>
    %dma_start3A_340 = arith.constant 0 : i32
    %dma_start3A_341 = arith.constant 0 : i32
    %dma_start3A_342 = tpu.memref_slice %arg6[%dma_start3A_331, %dma_start3A_340, %dma_start3A_341] : memref<6x128x128xf32, #tpu.memory_space<vmem>> -> memref<1x128x128xf32, #tpu.memory_space<vmem>>
    %dma_start3A_343 = tpu.memref_squeeze %dma_start3A_342 : memref<1x128x128xf32, #tpu.memory_space<vmem>> -> memref<128x128xf32, #tpu.memory_space<vmem>>
    tpu.enqueue_dma source(%dma_start3A_343 : memref<128x128xf32, #tpu.memory_space<vmem>>) target(%dma_start3A_339 : memref<128x128xf32, #tpu.memory_space<hbm>>) target_semaphore(%arg13 : memref<!tpu.dma_semaphore, #tpu.memory_space<semaphore_mem>>)
    %dma_wait3A_344 = arith.constant 1 : i32
    %dma_wait3A_345 = arith.constant 0 : i32
    %dma_wait3A_346 = arith.constant 0 : i32
    %dma_wait3A_347 = tpu.memref_slice %arg6[%dma_wait3A_344, %dma_wait3A_345, %dma_wait3A_346] : memref<6x128x128xf32, #tpu.memory_space<vmem>> -> memref<1x128x128xf32, #tpu.memory_space<vmem>>
    %dma_wait3A_348 = tpu.memref_squeeze %dma_wait3A_347 : memref<1x128x128xf32, #tpu.memory_space<vmem>> -> memref<128x128xf32, #tpu.memory_space<vmem>>
    %dma_wait3A_349 = arith.constant 0 : i32
    %dma_wait3A_350 = arith.constant 0 : i32
    %dma_wait3A_351 = tpu.memref_slice %arg2[%dma_wait3A_349, %dma_wait3A_350] : memref<100000x128xf32, #tpu.memory_space<hbm>> -> memref<128x128xf32, #tpu.memory_space<hbm>>
    %dma_wait3A_352 = arith.constant 0 : i32
    %dma_wait3A_353 = arith.constant 0 : i32
    %dma_wait3A_354 = tpu.memref_slice %arg6[%dma_wait3A_344, %dma_wait3A_352, %dma_wait3A_353] : memref<6x128x128xf32, #tpu.memory_space<vmem>> -> memref<1x128x128xf32, #tpu.memory_space<vmem>>
    %dma_wait3A_355 = tpu.memref_squeeze %dma_wait3A_354 : memref<1x128x128xf32, #tpu.memory_space<vmem>> -> memref<128x128xf32, #tpu.memory_space<vmem>>
    %dma_wait3A_356 = arith.constant 0 : i32
    %dma_wait3A_357 = arith.constant 0 : i32
    %dma_wait3A_358 = tpu.memref_slice %arg2[%dma_wait3A_356, %dma_wait3A_357] : memref<100000x128xf32, #tpu.memory_space<hbm>> -> memref<128x128xf32, #tpu.memory_space<hbm>>
    tpu.wait_dma2 semaphore(%arg8 : memref<!tpu.dma_semaphore, #tpu.memory_space<semaphore_mem>>) src(%dma_wait3A_358 : memref<128x128xf32, #tpu.memory_space<hbm>>) dst(%dma_wait3A_355 : memref<128x128xf32, #tpu.memory_space<vmem>>)
    %add3A_359 = arith.constant 25472 : i32
    %add3A_360 = arith.addi %mul3A_4, %add3A_359 : i32
    %dma_start3A_361 = arith.constant 1 : i32
    %dma_start3A_362 = arith.constant 0 : i32
    %dma_start3A_363 = arith.constant 0 : i32
    %dma_start3A_364 = tpu.memref_slice %arg6[%dma_start3A_361, %dma_start3A_362, %dma_start3A_363] : memref<6x128x128xf32, #tpu.memory_space<vmem>> -> memref<1x128x128xf32, #tpu.memory_space<vmem>>
    %dma_start3A_365 = tpu.memref_squeeze %dma_start3A_364 : memref<1x128x128xf32, #tpu.memory_space<vmem>> -> memref<128x128xf32, #tpu.memory_space<vmem>>
    %dma_start3A_366 = arith.constant 0 : i32
    %dma_start3A_367 = tpu.memref_slice %arg4[%add3A_360, %dma_start3A_366] : memref<819200x128xf32, #tpu.memory_space<hbm>> -> memref<128x128xf32, #tpu.memory_space<hbm>>
    %dma_start3A_368 = arith.constant 0 : i32
    %dma_start3A_369 = tpu.memref_slice %arg4[%add3A_360, %dma_start3A_368] : memref<819200x128xf32, #tpu.memory_space<hbm>> -> memref<128x128xf32, #tpu.memory_space<hbm>>
    %dma_start3A_370 = arith.constant 0 : i32
    %dma_start3A_371 = arith.constant 0 : i32
    %dma_start3A_372 = tpu.memref_slice %arg6[%dma_start3A_361, %dma_start3A_370, %dma_start3A_371] : memref<6x128x128xf32, #tpu.memory_space<vmem>> -> memref<1x128x128xf32, #tpu.memory_space<vmem>>
    %dma_start3A_373 = tpu.memref_squeeze %dma_start3A_372 : memref<1x128x128xf32, #tpu.memory_space<vmem>> -> memref<128x128xf32, #tpu.memory_space<vmem>>
    tpu.enqueue_dma source(%dma_start3A_373 : memref<128x128xf32, #tpu.memory_space<vmem>>) target(%dma_start3A_369 : memref<128x128xf32, #tpu.memory_space<hbm>>) target_semaphore(%arg14 : memref<!tpu.dma_semaphore, #tpu.memory_space<semaphore_mem>>)
    %dma_wait3A_374 = arith.constant 2 : i32
    %dma_wait3A_375 = arith.constant 0 : i32
    %dma_wait3A_376 = arith.constant 0 : i32
    %dma_wait3A_377 = tpu.memref_slice %arg6[%dma_wait3A_374, %dma_wait3A_375, %dma_wait3A_376] : memref<6x128x128xf32, #tpu.memory_space<vmem>> -> memref<1x128x128xf32, #tpu.memory_space<vmem>>
    %dma_wait3A_378 = tpu.memref_squeeze %dma_wait3A_377 : memref<1x128x128xf32, #tpu.memory_space<vmem>> -> memref<128x128xf32, #tpu.memory_space<vmem>>
    %dma_wait3A_379 = arith.constant 0 : i32
    %dma_wait3A_380 = arith.constant 0 : i32
    %dma_wait3A_381 = tpu.memref_slice %arg4[%dma_wait3A_379, %dma_wait3A_380] : memref<819200x128xf32, #tpu.memory_space<hbm>> -> memref<128x128xf32, #tpu.memory_space<hbm>>
    %dma_wait3A_382 = arith.constant 0 : i32
    %dma_wait3A_383 = arith.constant 0 : i32
    %dma_wait3A_384 = tpu.memref_slice %arg4[%dma_wait3A_382, %dma_wait3A_383] : memref<819200x128xf32, #tpu.memory_space<hbm>> -> memref<128x128xf32, #tpu.memory_space<hbm>>
    %dma_wait3A_385 = arith.constant 0 : i32
    %dma_wait3A_386 = arith.constant 0 : i32
    %dma_wait3A_387 = tpu.memref_slice %arg6[%dma_wait3A_374, %dma_wait3A_385, %dma_wait3A_386] : memref<6x128x128xf32, #tpu.memory_space<vmem>> -> memref<1x128x128xf32, #tpu.memory_space<vmem>>
    %dma_wait3A_388 = tpu.memref_squeeze %dma_wait3A_387 : memref<1x128x128xf32, #tpu.memory_space<vmem>> -> memref<128x128xf32, #tpu.memory_space<vmem>>
    tpu.wait_dma2 semaphore(%arg15 : memref<!tpu.dma_semaphore, #tpu.memory_space<semaphore_mem>>) src(%dma_wait3A_388 : memref<128x128xf32, #tpu.memory_space<vmem>>) dst(%dma_wait3A_384 : memref<128x128xf32, #tpu.memory_space<hbm>>)
    %dma_wait3A_389 = arith.constant 3 : i32
    %dma_wait3A_390 = arith.constant 0 : i32
    %dma_wait3A_391 = arith.constant 0 : i32
    %dma_wait3A_392 = tpu.memref_slice %arg6[%dma_wait3A_389, %dma_wait3A_390, %dma_wait3A_391] : memref<6x128x128xf32, #tpu.memory_space<vmem>> -> memref<1x128x128xf32, #tpu.memory_space<vmem>>
    %dma_wait3A_393 = tpu.memref_squeeze %dma_wait3A_392 : memref<1x128x128xf32, #tpu.memory_space<vmem>> -> memref<128x128xf32, #tpu.memory_space<vmem>>
    %dma_wait3A_394 = arith.constant 0 : i32
    %dma_wait3A_395 = arith.constant 0 : i32
    %dma_wait3A_396 = tpu.memref_slice %arg4[%dma_wait3A_394, %dma_wait3A_395] : memref<819200x128xf32, #tpu.memory_space<hbm>> -> memref<128x128xf32, #tpu.memory_space<hbm>>
    %dma_wait3A_397 = arith.constant 0 : i32
    %dma_wait3A_398 = arith.constant 0 : i32
    %dma_wait3A_399 = tpu.memref_slice %arg4[%dma_wait3A_397, %dma_wait3A_398] : memref<819200x128xf32, #tpu.memory_space<hbm>> -> memref<128x128xf32, #tpu.memory_space<hbm>>
    %dma_wait3A_400 = arith.constant 0 : i32
    %dma_wait3A_401 = arith.constant 0 : i32
    %dma_wait3A_402 = tpu.memref_slice %arg6[%dma_wait3A_389, %dma_wait3A_400, %dma_wait3A_401] : memref<6x128x128xf32, #tpu.memory_space<vmem>> -> memref<1x128x128xf32, #tpu.memory_space<vmem>>
    %dma_wait3A_403 = tpu.memref_squeeze %dma_wait3A_402 : memref<1x128x128xf32, #tpu.memory_space<vmem>> -> memref<128x128xf32, #tpu.memory_space<vmem>>
    tpu.wait_dma2 semaphore(%arg16 : memref<!tpu.dma_semaphore, #tpu.memory_space<semaphore_mem>>) src(%dma_wait3A_403 : memref<128x128xf32, #tpu.memory_space<vmem>>) dst(%dma_wait3A_399 : memref<128x128xf32, #tpu.memory_space<hbm>>)
    %dma_wait3A_404 = arith.constant 4 : i32
    %dma_wait3A_405 = arith.constant 0 : i32
    %dma_wait3A_406 = arith.constant 0 : i32
    %dma_wait3A_407 = tpu.memref_slice %arg6[%dma_wait3A_404, %dma_wait3A_405, %dma_wait3A_406] : memref<6x128x128xf32, #tpu.memory_space<vmem>> -> memref<1x128x128xf32, #tpu.memory_space<vmem>>
    %dma_wait3A_408 = tpu.memref_squeeze %dma_wait3A_407 : memref<1x128x128xf32, #tpu.memory_space<vmem>> -> memref<128x128xf32, #tpu.memory_space<vmem>>
    %dma_wait3A_409 = arith.constant 0 : i32
    %dma_wait3A_410 = arith.constant 0 : i32
    %dma_wait3A_411 = tpu.memref_slice %arg4[%dma_wait3A_409, %dma_wait3A_410] : memref<819200x128xf32, #tpu.memory_space<hbm>> -> memref<128x128xf32, #tpu.memory_space<hbm>>
    %dma_wait3A_412 = arith.constant 0 : i32
    %dma_wait3A_413 = arith.constant 0 : i32
    %dma_wait3A_414 = tpu.memref_slice %arg4[%dma_wait3A_412, %dma_wait3A_413] : memref<819200x128xf32, #tpu.memory_space<hbm>> -> memref<128x128xf32, #tpu.memory_space<hbm>>
    %dma_wait3A_415 = arith.constant 0 : i32
    %dma_wait3A_416 = arith.constant 0 : i32
    %dma_wait3A_417 = tpu.memref_slice %arg6[%dma_wait3A_404, %dma_wait3A_415, %dma_wait3A_416] : memref<6x128x128xf32, #tpu.memory_space<vmem>> -> memref<1x128x128xf32, #tpu.memory_space<vmem>>
    %dma_wait3A_418 = tpu.memref_squeeze %dma_wait3A_417 : memref<1x128x128xf32, #tpu.memory_space<vmem>> -> memref<128x128xf32, #tpu.memory_space<vmem>>
    tpu.wait_dma2 semaphore(%arg17 : memref<!tpu.dma_semaphore, #tpu.memory_space<semaphore_mem>>) src(%dma_wait3A_418 : memref<128x128xf32, #tpu.memory_space<vmem>>) dst(%dma_wait3A_414 : memref<128x128xf32, #tpu.memory_space<hbm>>)
    %dma_wait3A_419 = arith.constant 5 : i32
    %dma_wait3A_420 = arith.constant 0 : i32
    %dma_wait3A_421 = arith.constant 0 : i32
    %dma_wait3A_422 = tpu.memref_slice %arg6[%dma_wait3A_419, %dma_wait3A_420, %dma_wait3A_421] : memref<6x128x128xf32, #tpu.memory_space<vmem>> -> memref<1x128x128xf32, #tpu.memory_space<vmem>>
    %dma_wait3A_423 = tpu.memref_squeeze %dma_wait3A_422 : memref<1x128x128xf32, #tpu.memory_space<vmem>> -> memref<128x128xf32, #tpu.memory_space<vmem>>
    %dma_wait3A_424 = arith.constant 0 : i32
    %dma_wait3A_425 = arith.constant 0 : i32
    %dma_wait3A_426 = tpu.memref_slice %arg4[%dma_wait3A_424, %dma_wait3A_425] : memref<819200x128xf32, #tpu.memory_space<hbm>> -> memref<128x128xf32, #tpu.memory_space<hbm>>
    %dma_wait3A_427 = arith.constant 0 : i32
    %dma_wait3A_428 = arith.constant 0 : i32
    %dma_wait3A_429 = tpu.memref_slice %arg4[%dma_wait3A_427, %dma_wait3A_428] : memref<819200x128xf32, #tpu.memory_space<hbm>> -> memref<128x128xf32, #tpu.memory_space<hbm>>
    %dma_wait3A_430 = arith.constant 0 : i32
    %dma_wait3A_431 = arith.constant 0 : i32
    %dma_wait3A_432 = tpu.memref_slice %arg6[%dma_wait3A_419, %dma_wait3A_430, %dma_wait3A_431] : memref<6x128x128xf32, #tpu.memory_space<vmem>> -> memref<1x128x128xf32, #tpu.memory_space<vmem>>
    %dma_wait3A_433 = tpu.memref_squeeze %dma_wait3A_432 : memref<1x128x128xf32, #tpu.memory_space<vmem>> -> memref<128x128xf32, #tpu.memory_space<vmem>>
    tpu.wait_dma2 semaphore(%arg18 : memref<!tpu.dma_semaphore, #tpu.memory_space<semaphore_mem>>) src(%dma_wait3A_433 : memref<128x128xf32, #tpu.memory_space<vmem>>) dst(%dma_wait3A_429 : memref<128x128xf32, #tpu.memory_space<hbm>>)
    %dma_wait3A_434 = arith.constant 0 : i32
    %dma_wait3A_435 = arith.constant 0 : i32
    %dma_wait3A_436 = arith.constant 0 : i32
    %dma_wait3A_437 = tpu.memref_slice %arg6[%dma_wait3A_434, %dma_wait3A_435, %dma_wait3A_436] : memref<6x128x128xf32, #tpu.memory_space<vmem>> -> memref<1x128x128xf32, #tpu.memory_space<vmem>>
    %dma_wait3A_438 = tpu.memref_squeeze %dma_wait3A_437 : memref<1x128x128xf32, #tpu.memory_space<vmem>> -> memref<128x128xf32, #tpu.memory_space<vmem>>
    %dma_wait3A_439 = arith.constant 0 : i32
    %dma_wait3A_440 = arith.constant 0 : i32
    %dma_wait3A_441 = tpu.memref_slice %arg4[%dma_wait3A_439, %dma_wait3A_440] : memref<819200x128xf32, #tpu.memory_space<hbm>> -> memref<128x128xf32, #tpu.memory_space<hbm>>
    %dma_wait3A_442 = arith.constant 0 : i32
    %dma_wait3A_443 = arith.constant 0 : i32
    %dma_wait3A_444 = tpu.memref_slice %arg4[%dma_wait3A_442, %dma_wait3A_443] : memref<819200x128xf32, #tpu.memory_space<hbm>> -> memref<128x128xf32, #tpu.memory_space<hbm>>
    %dma_wait3A_445 = arith.constant 0 : i32
    %dma_wait3A_446 = arith.constant 0 : i32
    %dma_wait3A_447 = tpu.memref_slice %arg6[%dma_wait3A_434, %dma_wait3A_445, %dma_wait3A_446] : memref<6x128x128xf32, #tpu.memory_space<vmem>> -> memref<1x128x128xf32, #tpu.memory_space<vmem>>
    %dma_wait3A_448 = tpu.memref_squeeze %dma_wait3A_447 : memref<1x128x128xf32, #tpu.memory_space<vmem>> -> memref<128x128xf32, #tpu.memory_space<vmem>>
    tpu.wait_dma2 semaphore(%arg13 : memref<!tpu.dma_semaphore, #tpu.memory_space<semaphore_mem>>) src(%dma_wait3A_448 : memref<128x128xf32, #tpu.memory_space<vmem>>) dst(%dma_wait3A_444 : memref<128x128xf32, #tpu.memory_space<hbm>>)
    %dma_wait3A_449 = arith.constant 1 : i32
    %dma_wait3A_450 = arith.constant 0 : i32
    %dma_wait3A_451 = arith.constant 0 : i32
    %dma_wait3A_452 = tpu.memref_slice %arg6[%dma_wait3A_449, %dma_wait3A_450, %dma_wait3A_451] : memref<6x128x128xf32, #tpu.memory_space<vmem>> -> memref<1x128x128xf32, #tpu.memory_space<vmem>>
    %dma_wait3A_453 = tpu.memref_squeeze %dma_wait3A_452 : memref<1x128x128xf32, #tpu.memory_space<vmem>> -> memref<128x128xf32, #tpu.memory_space<vmem>>
    %dma_wait3A_454 = arith.constant 0 : i32
    %dma_wait3A_455 = arith.constant 0 : i32
    %dma_wait3A_456 = tpu.memref_slice %arg4[%dma_wait3A_454, %dma_wait3A_455] : memref<819200x128xf32, #tpu.memory_space<hbm>> -> memref<128x128xf32, #tpu.memory_space<hbm>>
    %dma_wait3A_457 = arith.constant 0 : i32
    %dma_wait3A_458 = arith.constant 0 : i32
    %dma_wait3A_459 = tpu.memref_slice %arg4[%dma_wait3A_457, %dma_wait3A_458] : memref<819200x128xf32, #tpu.memory_space<hbm>> -> memref<128x128xf32, #tpu.memory_space<hbm>>
    %dma_wait3A_460 = arith.constant 0 : i32
    %dma_wait3A_461 = arith.constant 0 : i32
    %dma_wait3A_462 = tpu.memref_slice %arg6[%dma_wait3A_449, %dma_wait3A_460, %dma_wait3A_461] : memref<6x128x128xf32, #tpu.memory_space<vmem>> -> memref<1x128x128xf32, #tpu.memory_space<vmem>>
    %dma_wait3A_463 = tpu.memref_squeeze %dma_wait3A_462 : memref<1x128x128xf32, #tpu.memory_space<vmem>> -> memref<128x128xf32, #tpu.memory_space<vmem>>
    tpu.wait_dma2 semaphore(%arg14 : memref<!tpu.dma_semaphore, #tpu.memory_space<semaphore_mem>>) src(%dma_wait3A_463 : memref<128x128xf32, #tpu.memory_space<vmem>>) dst(%dma_wait3A_459 : memref<128x128xf32, #tpu.memory_space<hbm>>)
    return
  }
}

</mosaic_0001>

<sc_bundles>
// kernel: kernel.3.cloned.1.call-start
scs
__scs_entry_jumppad:
0x0: {  	(pc) =	sbr.rel $0x88, $3  }
0x1: {  	(tag) =	ssettag $0x0;
	lr =	simm.s32 $0x1  }
0x2: {  	[smem:$0x3F9F] =	sst lr;
	_ =	strace $0xD0000000  }
0x3: {  	_ = 	snop  }
0x4: {  	_ = 	snop  }
0x5: {  	_ = 	snop  }
0x6: {  	_ = 	snop  }
0x7: {  	_ = 	snop  }
__scs_overlays_trampoline_lowered:
0x8: {  	[smem:$0x3FAE] =	sst s0  }
0x9: {  	[smem:$0x3FAF] =	sst s1  }
0xa: {  	[smem:$0x3FB0] =	sst s2  }
0xb: {  	[smem:$0x3FB1] =	sst s3  }
0xc: {  	[smem:$0x3FB2] =	sst s4  }
0xd: {  	[smem:$0x3FB3] =	sst s5  }
0xe: {  	[smem:$0x3FB4] =	sst s6  }
0xf: {  	[smem:$0x3FB5] =	sst s7  }
0x10: {  	[smem:$0x3FB6] =	sst s8  }
0x11: {  	[smem:$0x3FB7] =	sst s9;
	s0 =	simm.s32 @!p0 $0x0  }
0x12: {  	s1 =	sld [smem:$0x3F9D];
	s0 =	simm.s32 @p0 $0x1  }
0x13: {  	[smem:$0x3FB8] =	sst s0;
	s0 =	simm.s32 @!p1 $0x0  }
0x14: {  	s2 =	sld [smem:$0x3F9C];
	s0 =	simm.s32 @p1 $0x1  }
0x15: {  	[smem:$0x3FB9] =	sst s0;
	s0 =	simm.s32 @!p2 $0x0  }
0x16: {  	s3 =	sld [smem:$0x3FDB];
	s0 =	simm.s32 @p2 $0x1  }
0x17: {  	s4 =	simm.s32 $0x1BF5;
	[smem:$0x3FBB] =	sst s0  }
0x18: {  	s0 =	sld [smem:$0x3F9E];
	_ =	swait.ge [sflag:s4], $0x0  }
0x19: {  	s7 =	sld [smem:$0x3F9F]  }
0x1a: {  	s8 =	sadd.s32 $0xFFFFE003, lr  }
0x1b: {  	s9 =	sadd.s32 $0xFFFFFEF7, lr;
	s5 =	simm.s32 $0xFFFFFFFF;
	p2 =	slt.u32 s8, $0xFFFFF086  }
0x1c: {  	p1 =	slt.u32 s9, $0xF7A;
	s5 =	simm.s32 @!p2 $0x0  }
0x1d: {  	s5 =	simm.s32 @p1 $0x1;
	p0 =	seq.s32 s7, s2  }
0x1e: {  	s7 =	smul.u32 @!p0 $0xF7A, s2;
	p2 =	seq.s32 @!p0 s5, $0x0  }
0x1f: {  	s9 =	smul.u32 $0xF7A, s1;
	s8 =	simm.s32 @!p0 $0x1BF5;
	p2 =	por !p2, p0  }
0x20: {  	[sflag:s8] =	ssyncset.s32 @!p0 $0xFFFFF086;
	s6 =	sadd.s32 @!p0 s3, s7;
	s7 =	simm.s32 @!p0 $0x108  }
0x21: {  	s3 =	sadd.s32 s3, s9;
	s6 =	sadd.s32 @!p0 $0x88, s6;
	s7 =	simm.s32 @p2 $0x1082  }
0x22: {  	[simem:s7], [sflag:s8] =	dma.local @!p0 [hbm:s6], $0xF7A  }
0x23: {  	s9 =	sor.u32 $0xD0000000, s2;
	s6 =	simm.s32 $0x108;
	_ =	swait.ge @!p0 [sflag:s8], $0x0  }
0x24: {  	s3 =	sadd.s32 $0x88, s3;
	s6 =	simm.s32 @!p1 $0x1082;
	[sflag:s4] =	ssyncset.s32 $0xFFFFF086  }
0x25: {  	[simem:s6], [sflag:s4] =	dma.local [hbm:s3], $0xF7A  }
0x26: {  	[smem:$0x3F9F] =	sst s1;
	(tag) =	ssettag s2;
	_ =	strace s9  }
0x27: {  	s1 =	sld [smem:$0x3FAF]  }
0x28: {  	s2 =	sld [smem:$0x3FB0]  }
0x29: {  	s4 =	sld [smem:$0x3FB2]  }
0x2a: {  	p0 =	seq.s32 s5, $0x0;
	s5 =	sld [smem:$0x3FB3]  }
0x2b: {  	s6 =	sld [smem:$0x3FB4]  }
0x2c: {  	s7 =	sld [smem:$0x3FB5]  }
0x2d: {  	s3 =	simm.s32 $0x108;
	s8 =	sld [smem:$0x3FB6]  }
0x2e: {  	s3 =	simm.s32 @!p0 $0x1082;
	s9 =	sld [smem:$0x3FB7]  }
0x2f: {  	lr =	sadd.s32 s0, s3;
	s0 =	sld [smem:$0x3FAE]  }
0x30: {  	s3 =	sld [smem:$0x3FB1]  }
0x31: {  	[smem:$0x3FBA] =	sst s10  }
0x32: {  	s10 =	sld [smem:$0x3FB8];
	_ =	sdelay $0x3  }
0x33: {  	p0 =	seq.s32 s10, $0x1;
	s10 =	sld [smem:$0x3FBA];
	_ =	sdelay $0x3  }
0x34: {  	[smem:$0x3FBA] =	sst s10  }
0x35: {  	s10 =	sld [smem:$0x3FB9];
	_ =	sdelay $0x3  }
0x36: {  	p1 =	seq.s32 s10, $0x1;
	s10 =	sld [smem:$0x3FBA];
	_ =	sdelay $0x3  }
0x37: {  	[smem:$0x3FBA] =	sst s10  }
0x38: {  	s10 =	sld [smem:$0x3FBB]  }
0x39: {  	_ = 	snop;
	(pc) =	sbr.ind lr, $3  }
0x3a: {  	_ = 	snop  }
0x3b: {  	_ = 	snop  }
0x3c: {  	p2 =	seq.s32 s10, $0x1;
	s10 =	sld [smem:$0x3FBA]  }
0x3d: {  	_ =	shalt  }
0x3e: {  	_ =	shalt  }
0x3f: {  	_ =	shalt  }
0x40: {  	_ =	shalt  }
0x41: {  	_ =	shalt  }
0x42: {  	_ =	shalt  }
0x43: {  	_ =	shalt  }
0x44: {  	_ =	shalt  }
0x45: {  	_ =	shalt  }
0x46: {  	_ =	shalt  }
0x47: {  	_ =	shalt  }
0x48: {  	_ =	shalt  }
0x49: {  	_ =	shalt  }
0x4a: {  	_ =	shalt  }
0x4b: {  	_ =	shalt  }
0x4c: {  	_ =	shalt  }
0x4d: {  	_ =	shalt  }
0x4e: {  	_ =	shalt  }
0x4f: {  	_ =	shalt  }
0x50: {  	_ =	shalt  }
0x51: {  	_ =	shalt  }
0x52: {  	_ =	shalt  }
0x53: {  	_ =	shalt  }
0x54: {  	_ =	shalt  }
0x55: {  	_ =	shalt  }
0x56: {  	_ =	shalt  }
0x57: {  	_ =	shalt  }
0x58: {  	_ =	shalt  }
0x59: {  	_ =	shalt  }
0x5a: {  	_ =	shalt  }
0x5b: {  	_ =	shalt  }
0x5c: {  	_ =	shalt  }
0x5d: {  	_ =	shalt  }
0x5e: {  	_ =	shalt  }
0x5f: {  	_ =	shalt  }
0x60: {  	_ =	shalt  }
0x61: {  	_ =	shalt  }
0x62: {  	_ =	shalt  }
0x63: {  	_ =	shalt  }
0x64: {  	_ =	shalt  }
0x65: {  	_ =	shalt  }
0x66: {  	_ =	shalt  }
0x67: {  	_ =	shalt  }
0x68: {  	_ =	shalt  }
0x69: {  	_ =	shalt  }
0x6a: {  	_ =	shalt  }
0x6b: {  	_ =	shalt  }
0x6c: {  	_ =	shalt  }
0x6d: {  	_ =	shalt  }
0x6e: {  	_ =	shalt  }
0x6f: {  	_ =	shalt  }
0x70: {  	_ =	shalt  }
0x71: {  	_ =	shalt  }
0x72: {  	_ =	shalt  }
0x73: {  	_ =	shalt  }
0x74: {  	_ =	shalt  }
0x75: {  	_ =	shalt  }
0x76: {  	_ =	shalt  }
0x77: {  	_ =	shalt  }
0x78: {  	_ =	shalt  }
0x79: {  	_ =	shalt  }
0x7a: {  	_ =	shalt  }
0x7b: {  	_ =	shalt  }
0x7c: {  	_ =	shalt  }
0x7d: {  	_ =	shalt  }
0x7e: {  	_ =	shalt  }
0x7f: {  	_ =	shalt  }
0x80: {  	_ =	shalt  }
0x81: {  	_ =	shalt  }
0x82: {  	_ =	shalt  }
0x83: {  	_ =	shalt  }
0x84: {  	_ =	shalt  }
0x85: {  	_ =	shalt  }
0x86: {  	_ =	shalt  }
0x87: {  	_ =	shalt  }
.Lfunc_end0:
.L_simem_size_0:
called_computation_lowered:
.L_overlay_start_0:
0x88: {  	s2 =	sld [smem:$0x3FD9]  }
0x89: {  	s3 =	sld [smem:$0x3FFE];
	_ =	sdelay $0x1  }
0x8a: {  	s1 =	srdreg.scid  }
0x8b: {  	s0 =	sand.u32 $0x1, s1  }
0x8c: {  	s17 =	sshll.u32 s0, $0xA;
	s2 =	sadd.s32 s3, s2  }
0x8d: {  	s2 =	sadd.s32 s2, s17  }
0x8e: {  	[smem:$0x3FC6] =	sst s2  }
0x8f: {  	_ = 	snop  }
0x90: {  	s2 =	sld [smem:$0x3FC8]  }
0x91: {  	s18 =	sld [smem:$0x3FD0];
	(tm) =	ssettm $0x1  }
0x92: {  	s4 =	sld [smem:$0x3FFB];
	_ =	sdelay $0x3  }
0x93: {  	_ =	strace s4  }
0x94: {  	s4 =	sld [smem:$0x3FFC];
	_ =	sdelay $0x3  }
0x95: {  	_ =	strace s4  }
0x96: {  	s4 =	sld [smem:$0x3FFD];
	_ =	sdelay $0x3  }
0x97: {  	_ =	strace s4  }
0x98: {  	_ =	strace $0x8FFFFFFF  }
0x99: {  	s19 =	sld [smem:$0x3FDB];
	_ =	sdelay $0x1  }
0x9a: {  	s5 =	simm.s32 $_scs_section_size  }
0x9b: {  	s6 =	simm.s32 $_size__tile_overlayer_lowered;
	s7 =	simm.s32 $_tile_overlayer_lowered  }
0x9c: {  	s22 =	simm.s32 $0x1BFF;
	s21 =	sshll.u32 s7, $0x1;
	s4 =	sadd.s32 s5, s19  }
0x9d: {  	s8 =	simm.s32 $0x0;
	s20 =	sshll.u32 s6, $0x1;
	s6 =	sadd.s32 s21, s4  }
0x9e: {  	[timem:s8], [sflag:s22] =	dma.local [hbm:s6], s20  }
0x9f: {  	_ =	swait.ge [sflag:s22], s20  }
0xa0: {  	s5 =	ssub.s32 $0x0, s20;
	[sflag:s22] =	ssyncset.done $0x0  }
0xa1: {  	[sflag:s22] =	ssyncadd.s32 s5;
	_ =	sdelay $0x1  }
0xa2: {  	s23 =	simm.s32 $0x1B8B  }
0xa3: {  	_ =	swait.ge [sflag:s23], $0x1  }
0xa4: {  	[sflag:s23] =	ssyncset.done $0x0  }
0xa5: {  	s25 =	simm.s32 $0x1B8E;
	s24 =	sld [smem:$0x3FFE];
	[sflag:s23] =	ssyncadd.s32 $0xFFFFFFFF  }
0xa6: {  	s26 =	simm.s32 $execute0_lowered;
	[smem:$0x3FD2] =	sst s25  }
0xa7: {  	s6 =	sshll.u32 s26, $0x1;
	_ =	strace $0x80000046;
	[dreg:$0x1] =	wrdreg $0xFFFFFFFF  }
0xa8: {  	s28 =	simm.s32 $_size_execute0_lowered;
	s4 =	sadd.s32 s4, s6;
	[dreg:$0x0] =	wrdreg $0x0  }
0xa9: {  	s6 =	sshll.u32 s28, $0x1;
	[dreg:$0x2] =	wrdreg s4  }
0xaa: {  	[dreg:$0x3] =	wrdreg s6  }
0xab: {  	[dreg:$0x4] =	wrdreg $0xC0  }
0xac: {  	_ =	task [dreg:s8], $0x5FFFF  }
0xad: {  	[dreg:$0x1] =	wrdreg $0xFFFFFFFF  }
0xae: {  	[dreg:$0x0] =	wrdreg $0x60  }
0xaf: {  	[dreg:$0x2] =	wrdreg s2  }
0xb0: {  	[dreg:$0x3] =	wrdreg s24  }
0xb1: {  	[dreg:$0x4] =	wrdreg s18  }
0xb2: {  	[dreg:$0x5] =	wrdreg $0x9  }
0xb3: {  	_ =	task.clear_ibuf [dreg:s8], $0x6FFFF;
	_ =	strace $0x90000046  }
0xb4: {  	s29 =	simm.s32 $0x9;
	_ =	strace $0x80000048  }
0xb5: {  	_ =	swait.ge [sflag:s29], $0x1  }
0xb6: {  	[sflag:s29] =	ssyncadd.s32 $0xFFFFFFFF  }
0xb7: {  	_ =	strace $0x90000048  }
0xb8: {  	_ =	sfence  }
0xb9: {  	s30 =	sld [smem:$0x0];
	_ =	sdelay $0x2  }
0xba: {  	s31 =	sshll.u32 s1, $0xD;
	s1 =	sshrl.u32 s1, $0x2  }
0xbb: {  	s3 =	sand.u32 $0x4000, s31;
	s1 =	sadd.s32 s1, s30  }
0xbc: {  	s0 =	sor.u32 s3, s0;
	s1 =	sshll.u32 s1, $0x11  }
0xbd: {  	s0 =	sor.u32 s1, s0  }
0xbe: {  	s0 =	sadd.s32 $0x8F2B, s0  }
0xbf: {  	[sflag:s0] =	ssyncadd.remote.s32 $0x1  }
0xc0: {  	_ =	sfence.sel $0xFFFF  }
0xc1: {  	[dreg:$0x0] =	wrdreg $0xFFFFFFFF;
	(pc) =	sbr.abs _section_cstart, $3  }
0xc2: {  	[dreg:$0x1] =	wrdreg $0xFFFFFFFF  }
0xc3: {  	_ =	task.clear_ibuf [dreg:s8], $0x2FFFF;
	_ =	strace $0x9FFFFFFF  }
0xc4: {  	(tm) =	ssettm $0x7FFFFFFF  }
0xc5: {  	_ =	shalt  }
tec
execute0_lowered:
.L_overlay_start_1:
0x0: {  	(tag) =	ssettag $0x1  }
0x1: {  	s1 =	rddreg [dreg:$0x0]  }
0x2: {  	s0 =	rddreg [dreg:$0x1];
	s2 =	srdreg.scid  }
0x3: {  	s10 =	stileid.u32;
	s4 =	rddreg [dreg:$0x2];
	s3 =	simm.s32 $0x0  }
0x4: {  	s15 =	simm.s32 $0xD;
	s16 =	simm.s32 $0x80;
	s17 =	simm.s32 $0x6400  }
0x5: {  	s18 =	simm.s32 $0xA400;
	s2 =	sand.u32 $0x1, s2;
	s5 =	sshll.u32 s10, $0x1  }
0x6: {  	s28 =	simm.s32 $0x3;
	s22 =	smul.u32 $0xC8000, s10;
	s5 =	sor.u32 s2, s5  }
0x7: {  	s30 =	simm.s32 $0x1A400;
	s31 =	simm.s32 $0x4;
	s6 =	smul.u32 $0xC80, s5  }
0x8: {  	s29 =	simm.s32 $0xA;
	[smem:$0x7FF] =	sst s3;
	s8 =	smul.u32 $0x64000, s5  }
0x9: {  	_ =	strace $0x80000047;
	s7 =	ssub.s32 $0x2, s2;
	s9 =	smul.u32 $0x320000, s5  }
0xa: {  	s2 =	smul.u32 $0x64000, s2;
	s19 =	sshrl.u32 s7, $0x1;
	s0 =	sadd.s32 s6, s0  }
0xb: {  	s6 =	ssub.s32 s7, s19;
	s5 =	sadd.s32 s4, s8;
	s21 =	sshrl.u32 s9, $0x3  }
0xc: {  	s19 =	simm.s32 $0x8;
	s7 =	simm.s32 $0x0;
	s0 =	sadd.s32 $0x400, s0  }
0xd: {  	s20 =	sadd.s32 $0x800, s5;
	s8 =	sadd.s32 $0x1000, s5;
	[dreg:$0x4] =	wrdreg s0  }
0xe: {  	s13 =	smax.u32 s6, $0x1;
	s6 =	simm.s32 $0xC;
	[dreg:$0x5] =	wrdreg s20  }
0xf: {  	[dreg:$0x6] =	wrdreg s8;
	s0 =	sadd.s32 s4, s21;
	s4 =	sadd.s32 s22, s4  }
0x10: {  	s20 =	simm.s32 $0xE400;
	s21 =	simm.s32 $0x1;
	s23 =	sadd.s32 $0x61800, s0  }
0x11: {  	s22 =	simm.s32 $0x6;
	s24 =	sadd.s32 $0x62000, s0;
	[dreg:$0x7] =	wrdreg s23  }
0x12: {  	s25 =	sadd.s32 $0x62800, s0;
	s26 =	sadd.s32 $0x63000, s0;
	[dreg:$0x8] =	wrdreg s24  }
0x13: {  	s2 =	sadd.s32 s2, s4;
	s12 =	sadd.s32 $0x63800, s0;
	[dreg:$0x9] =	wrdreg s25  }
0x14: {  	s0 =	simm.s32 $0x5;
	s4 =	simm.s32 $0xB;
	[dreg:$0xa] =	wrdreg s26  }
0x15: {  	s14 =	sadd.s32 $0x2000, s2;
	s23 =	simm.s32 $0x12400;
	s24 =	simm.s32 $0x2  }
0x16: {  	s26 =	simm.s32 $0x16400;
	s2 =	simm.s32 $0x7;
	s25 =	simm.s32 $0x9  }
.LBB2_1:
0x17: {  	s8 =	rddreg [dreg:$0x4]  }
0x18: {  	[tilespmem:s3], [sflag:$0xD] =	stream.linear.gather [hbm4b:s8+s3], $0x6400, $0x38;
	[tilespmem:$0x1E400] =	vst v63  }
0x19: {  	_ =	swait.ge [sflag:s15], $0x6400  }
0x1a: {  	[sflag:s15] =	ssyncset.done $0x0  }
0x1b: {  	[sflag:s15] =	ssyncadd.s32 $0xFFFF9C00  }
0x1c: {  	[tilespmem:s17], [sflag:$0x1] =	stream.indirect.gather [hbm4b:s1+s16], $0x80, s3, s16, $0xb8;
	[tilespmem:$0x1E400] =	vst v63  }
0x1d: {  	_ = 	snop  }
0x1e: {  	[tilespmem:s18], [sflag:$0x2] =	stream.indirect.gather [hbm4b:s1+s16], $0x80, s16, s16, $0xb8;
	[tilespmem:$0x1E400] =	vst v63  }
0x1f: {  	s11 =	simm.s32 $0x100  }
0x20: {  	[tilespmem:s20], [sflag:$0x3] =	stream.indirect.gather [hbm4b:s1+s16], $0x80, s11, s16, $0xb8;
	[tilespmem:$0x1E400] =	vst v63  }
0x21: {  	_ =	swait.ge [sflag:s21], $0x4000  }
0x22: {  	[sflag:s21] =	ssyncset.done $0x0  }
0x23: {  	[sflag:s21] =	ssyncadd.s32 $0xFFFFC000  }
0x24: {  	[hbm4b:s5+s3] =	stream.linear.scatter [tilespmem:s17], [sflag:$0x7], $0x4000, $0x38;
	[tilespmem:$0x1E400] =	vst v63  }
0x25: {  	s9 =	simm.s32 $0x180  }
0x26: {  	[tilespmem:s23], [sflag:$0x4] =	stream.indirect.gather [hbm4b:s1+s16], $0x80, s9, s16, $0xb8;
	[tilespmem:$0x1E400] =	vst v63  }
0x27: {  	_ =	swait.ge [sflag:s24], $0x4000  }
0x28: {  	[sflag:s24] =	ssyncset.done $0x0  }
0x29: {  	s10 =	rddreg [dreg:$0x5];
	[sflag:s24] =	ssyncadd.s32 $0xFFFFC000  }
0x2a: {  	[hbm4b:s10+s3] =	stream.linear.scatter [tilespmem:s18], [sflag:$0x8], $0x4000, $0x38;
	[tilespmem:$0x1E400] =	vst v63  }
0x2b: {  	s11 =	simm.s32 $0x200  }
0x2c: {  	[tilespmem:s26], [sflag:$0x5] =	stream.indirect.gather [hbm4b:s1+s16], $0x80, s11, s16, $0xb8;
	[tilespmem:$0x1E400] =	vst v63  }
0x2d: {  	_ =	swait.ge [sflag:s28], $0x4000  }
0x2e: {  	[sflag:s28] =	ssyncset.done $0x0  }
0x2f: {  	s9 =	rddreg [dreg:$0x6];
	[sflag:s28] =	ssyncadd.s32 $0xFFFFC000  }
0x30: {  	[hbm4b:s9+s3] =	stream.linear.scatter [tilespmem:s20], [sflag:$0x9], $0x4000, $0x38;
	[tilespmem:$0x1E400] =	vst v63  }
0x31: {  	s10 =	simm.s32 $0x280  }
0x32: {  	[tilespmem:s30], [sflag:$0x6] =	stream.indirect.gather [hbm4b:s1+s16], $0x80, s10, s16, $0xb8;
	[tilespmem:$0x1E400] =	vst v63  }
0x33: {  	_ =	swait.ge [sflag:s31], $0x4000  }
0x34: {  	[sflag:s31] =	ssyncset.done $0x0  }
0x35: {  	s11 =	sadd.s32 $0xFFFFF800, s14;
	[sflag:s31] =	ssyncadd.s32 $0xFFFFC000  }
0x36: {  	[hbm4b:s11+s3] =	stream.linear.scatter [tilespmem:s23], [sflag:$0xA], $0x4000, $0x38;
	[tilespmem:$0x1E400] =	vst v63  }
0x37: {  	_ =	swait.ge [sflag:s2], $0x4000  }
0x38: {  	[sflag:s2] =	ssyncset.done $0x0  }
0x39: {  	s9 =	simm.s32 $0x300;
	[sflag:s2] =	ssyncadd.s32 $0xFFFFC000  }
0x3a: {  	[tilespmem:s17], [sflag:$0x1] =	stream.indirect.gather [hbm4b:s1+s16], $0x80, s9, s16, $0xb8;
	[tilespmem:$0x1E400] =	vst v63  }
0x3b: {  	_ =	swait.ge [sflag:s0], $0x4000  }
0x3c: {  	[sflag:s0] =	ssyncset.done $0x0  }
0x3d: {  	[sflag:s0] =	ssyncadd.s32 $0xFFFFC000  }
0x3e: {  	[hbm4b:s14+s3] =	stream.linear.scatter [tilespmem:s26], [sflag:$0xB], $0x4000, $0x38;
	[tilespmem:$0x1E400] =	vst v63  }
0x3f: {  	_ =	swait.ge [sflag:s19], $0x4000  }
0x40: {  	[sflag:s19] =	ssyncset.done $0x0  }
0x41: {  	s10 =	simm.s32 $0x380;
	[sflag:s19] =	ssyncadd.s32 $0xFFFFC000  }
0x42: {  	[tilespmem:s18], [sflag:$0x2] =	stream.indirect.gather [hbm4b:s1+s16], $0x80, s10, s16, $0xb8;
	[tilespmem:$0x1E400] =	vst v63  }
0x43: {  	_ =	swait.ge [sflag:s22], $0x4000  }
0x44: {  	[sflag:s22] =	ssyncset.done $0x0  }
0x45: {  	s11 =	sadd.s32 $0x800, s14;
	[sflag:s22] =	ssyncadd.s32 $0xFFFFC000  }
0x46: {  	[hbm4b:s11+s3] =	stream.linear.scatter [tilespmem:s30], [sflag:$0xC], $0x4000, $0x38;
	[tilespmem:$0x1E400] =	vst v63  }
0x47: {  	_ =	swait.ge [sflag:s25], $0x4000  }
0x48: {  	[sflag:s25] =	ssyncset.done $0x0  }
0x49: {  	s9 =	simm.s32 $0x400;
	[sflag:s25] =	ssyncadd.s32 $0xFFFFC000  }
0x4a: {  	[tilespmem:s20], [sflag:$0x3] =	stream.indirect.gather [hbm4b:s1+s16], $0x80, s9, s16, $0xb8;
	[tilespmem:$0x1E400] =	vst v63  }
0x4b: {  	_ =	swait.ge [sflag:s21], $0x4000  }
0x4c: {  	[sflag:s21] =	ssyncset.done $0x0  }
0x4d: {  	s10 =	sadd.s32 $0x1000, s14;
	[sflag:s21] =	ssyncadd.s32 $0xFFFFC000  }
0x4e: {  	[hbm4b:s10+s3] =	stream.linear.scatter [tilespmem:s17], [sflag:$0x7], $0x4000, $0x38;
	[tilespmem:$0x1E400] =	vst v63  }
0x4f: {  	_ =	swait.ge [sflag:s29], $0x4000  }
0x50: {  	[sflag:s29] =	ssyncset.done $0x0  }
0x51: {  	s11 =	simm.s32 $0x480;
	[sflag:s29] =	ssyncadd.s32 $0xFFFFC000  }
0x52: {  	[tilespmem:s23], [sflag:$0x4] =	stream.indirect.gather [hbm4b:s1+s16], $0x80, s11, s16, $0xb8;
	[tilespmem:$0x1E400] =	vst v63  }
0x53: {  	_ =	swait.ge [sflag:s24], $0x4000  }
0x54: {  	[sflag:s24] =	ssyncset.done $0x0  }
0x55: {  	s9 =	sadd.s32 $0x1800, s14;
	[sflag:s24] =	ssyncadd.s32 $0xFFFFC000  }
0x56: {  	[hbm4b:s9+s3] =	stream.linear.scatter [tilespmem:s18], [sflag:$0x8], $0x4000, $0x38;
	[tilespmem:$0x1E400] =	vst v63  }
0x57: {  	_ =	swait.ge [sflag:s4], $0x4000  }
0x58: {  	[sflag:s4] =	ssyncset.done $0x0  }
0x59: {  	s10 =	simm.s32 $0x500;
	[sflag:s4] =	ssyncadd.s32 $0xFFFFC000  }
0x5a: {  	[tilespmem:s26], [sflag:$0x5] =	stream.indirect.gather [hbm4b:s1+s16], $0x80, s10, s16, $0xb8;
	[tilespmem:$0x1E400] =	vst v63  }
0x5b: {  	_ =	swait.ge [sflag:s28], $0x4000  }
0x5c: {  	[sflag:s28] =	ssyncset.done $0x0  }
0x5d: {  	s11 =	sadd.s32 $0x2000, s14;
	[sflag:s28] =	ssyncadd.s32 $0xFFFFC000  }
0x5e: {  	[hbm4b:s11+s3] =	stream.linear.scatter [tilespmem:s20], [sflag:$0x9], $0x4000, $0x38;
	[tilespmem:$0x1E400] =	vst v63  }
0x5f: {  	_ =	swait.ge [sflag:s6], $0x4000  }
0x60: {  	s8 =	simm.s32 $0xC00;
	[sflag:s6] =	ssyncset.done $0x0  }
0x61: {  	s9 =	sadd.s32 $0x3000, s14;
	s10 =	simm.s32 $0x580;
	[sflag:s6] =	ssyncadd.s32 $0xFFFFC000  }
.LBB2_2:
0x62: {  	[tilespmem:s30], [sflag:$0x6] =	stream.indirect.gather [hbm4b:s1+s16], $0x80, s10, s16, $0xb8;
	[tilespmem:$0x1E400] =	vst v63  }
0x63: {  	s10 =	smov.u32 s8  }
0x64: {  	p0 =	sne.s32 s8, $0x17400;
	s8 =	sadd.s32 $0xC00, s8;
	_ =	swait.ge [sflag:s31], $0x4000  }
0x65: {  	[sflag:s31] =	ssyncset.done $0x0  }
0x66: {  	s11 =	sadd.s32 $0xFFFFF800, s9;
	[sflag:s31] =	ssyncadd.s32 $0xFFFFC000  }
0x67: {  	[hbm4b:s11+s3] =	stream.linear.scatter [tilespmem:s23], [sflag:$0xA], $0x4000, $0x38;
	[tilespmem:$0x1E400] =	vst v63  }
0x68: {  	_ =	swait.ge [sflag:s2], $0x4000  }
0x69: {  	s10 =	sshra.s32 s10, $0x2;
	[sflag:s2] =	ssyncset.done $0x0  }
0x6a: {  	s11 =	sadd.s32 $0x300, s10;
	[sflag:s2] =	ssyncadd.s32 $0xFFFFC000  }
0x6b: {  	[tilespmem:s17], [sflag:$0x1] =	stream.indirect.gather [hbm4b:s1+s16], $0x80, s11, s16, $0xb8;
	[tilespmem:$0x1E400] =	vst v63  }
0x6c: {  	_ =	swait.ge [sflag:s0], $0x4000  }
0x6d: {  	[sflag:s0] =	ssyncset.done $0x0  }
0x6e: {  	[sflag:s0] =	ssyncadd.s32 $0xFFFFC000  }
0x6f: {  	[hbm4b:s9+s3] =	stream.linear.scatter [tilespmem:s26], [sflag:$0xB], $0x4000, $0x38;
	[tilespmem:$0x1E400] =	vst v63  }
0x70: {  	_ =	swait.ge [sflag:s19], $0x4000  }
0x71: {  	[sflag:s19] =	ssyncset.done $0x0  }
0x72: {  	s11 =	sadd.s32 $0x380, s10;
	[sflag:s19] =	ssyncadd.s32 $0xFFFFC000  }
0x73: {  	[tilespmem:s18], [sflag:$0x2] =	stream.indirect.gather [hbm4b:s1+s16], $0x80, s11, s16, $0xb8;
	[tilespmem:$0x1E400] =	vst v63  }
0x74: {  	_ =	swait.ge [sflag:s22], $0x4000  }
0x75: {  	[sflag:s22] =	ssyncset.done $0x0  }
0x76: {  	s11 =	sadd.s32 $0x800, s9;
	[sflag:s22] =	ssyncadd.s32 $0xFFFFC000  }
0x77: {  	[hbm4b:s11+s3] =	stream.linear.scatter [tilespmem:s30], [sflag:$0xC], $0x4000, $0x38;
	[tilespmem:$0x1E400] =	vst v63  }
0x78: {  	_ =	swait.ge [sflag:s25], $0x4000  }
0x79: {  	[sflag:s25] =	ssyncset.done $0x0  }
0x7a: {  	s11 =	sadd.s32 $0x400, s10;
	[sflag:s25] =	ssyncadd.s32 $0xFFFFC000  }
0x7b: {  	[tilespmem:s20], [sflag:$0x3] =	stream.indirect.gather [hbm4b:s1+s16], $0x80, s11, s16, $0xb8;
	[tilespmem:$0x1E400] =	vst v63  }
0x7c: {  	_ =	swait.ge [sflag:s21], $0x4000  }
0x7d: {  	[sflag:s21] =	ssyncset.done $0x0  }
0x7e: {  	s11 =	sadd.s32 $0x1000, s9;
	[sflag:s21] =	ssyncadd.s32 $0xFFFFC000  }
0x7f: {  	[hbm4b:s11+s3] =	stream.linear.scatter [tilespmem:s17], [sflag:$0x7], $0x4000, $0x38;
	[tilespmem:$0x1E400] =	vst v63  }
0x80: {  	_ =	swait.ge [sflag:s29], $0x4000  }
0x81: {  	[sflag:s29] =	ssyncset.done $0x0  }
0x82: {  	s11 =	sadd.s32 $0x480, s10;
	[sflag:s29] =	ssyncadd.s32 $0xFFFFC000  }
0x83: {  	[tilespmem:s23], [sflag:$0x4] =	stream.indirect.gather [hbm4b:s1+s16], $0x80, s11, s16, $0xb8;
	[tilespmem:$0x1E400] =	vst v63  }
0x84: {  	_ =	swait.ge [sflag:s24], $0x4000  }
0x85: {  	[sflag:s24] =	ssyncset.done $0x0  }
0x86: {  	s11 =	sadd.s32 $0x1800, s9;
	[sflag:s24] =	ssyncadd.s32 $0xFFFFC000  }
0x87: {  	[hbm4b:s11+s3] =	stream.linear.scatter [tilespmem:s18], [sflag:$0x8], $0x4000, $0x38;
	[tilespmem:$0x1E400] =	vst v63  }
0x88: {  	_ =	swait.ge [sflag:s4], $0x4000  }
0x89: {  	[sflag:s4] =	ssyncset.done $0x0  }
0x8a: {  	s11 =	sadd.s32 $0x500, s10;
	[sflag:s4] =	ssyncadd.s32 $0xFFFFC000  }
0x8b: {  	[tilespmem:s26], [sflag:$0x5] =	stream.indirect.gather [hbm4b:s1+s16], $0x80, s11, s16, $0xb8;
	[tilespmem:$0x1E400] =	vst v63  }
0x8c: {  	_ =	swait.ge [sflag:s28], $0x4000  }
0x8d: {  	[sflag:s28] =	ssyncset.done $0x0  }
.Ltmp0:
0x8e: {  	s11 =	sadd.s32 $0x2000, s9;
	[sflag:s28] =	ssyncadd.s32 $0xFFFFC000;
	(pc) =	sbr.rel @p0 .LBB2_2-.Ltmp0, $4  }
0x8f: {  	[hbm4b:s11+s3] =	stream.linear.scatter [tilespmem:s20], [sflag:$0x9], $0x4000, $0x38;
	[tilespmem:$0x1E400] =	vst v63  }
0x90: {  	_ =	swait.ge [sflag:s6], $0x4000  }
0x91: {  	[sflag:s6] =	ssyncset.done $0x0  }
0x92: {  	s10 =	sadd.s32 $0x580, s10;
	s9 =	sadd.s32 $0x3000, s9;
	[sflag:s6] =	ssyncadd.s32 $0xFFFFC000  }
0x93: {  	[tilespmem:s30], [sflag:$0x6] =	stream.indirect.gather [hbm4b:s1+s16], $0x80, s10, s16, $0xb8;
	[tilespmem:$0x1E400] =	vst v63  }
0x94: {  	_ =	swait.ge [sflag:s31], $0x4000  }
0x95: {  	[sflag:s31] =	ssyncset.done $0x0  }
0x96: {  	s8 =	rddreg [dreg:$0x7];
	[sflag:s31] =	ssyncadd.s32 $0xFFFFC000  }
0x97: {  	[hbm4b:s8+s3] =	stream.linear.scatter [tilespmem:s23], [sflag:$0xA], $0x4000, $0x38;
	[tilespmem:$0x1E400] =	vst v63  }
0x98: {  	_ =	swait.ge [sflag:s2], $0x4000  }
0x99: {  	[sflag:s2] =	ssyncset.done $0x0  }
0x9a: {  	s10 =	simm.s32 $0x6300;
	[sflag:s2] =	ssyncadd.s32 $0xFFFFC000  }
0x9b: {  	[tilespmem:s17], [sflag:$0x1] =	stream.indirect.gather [hbm4b:s1+s16], $0x80, s10, s16, $0xb8;
	[tilespmem:$0x1E400] =	vst v63  }
0x9c: {  	_ =	swait.ge [sflag:s0], $0x4000  }
0x9d: {  	[sflag:s0] =	ssyncset.done $0x0  }
0x9e: {  	s11 =	rddreg [dreg:$0x8];
	[sflag:s0] =	ssyncadd.s32 $0xFFFFC000  }
0x9f: {  	[hbm4b:s11+s3] =	stream.linear.scatter [tilespmem:s26], [sflag:$0xB], $0x4000, $0x38;
	[tilespmem:$0x1E400] =	vst v63  }
0xa0: {  	_ =	swait.ge [sflag:s19], $0x4000  }
0xa1: {  	[sflag:s19] =	ssyncset.done $0x0  }
0xa2: {  	s9 =	simm.s32 $0x6380;
	[sflag:s19] =	ssyncadd.s32 $0xFFFFC000  }
0xa3: {  	[tilespmem:s18], [sflag:$0x2] =	stream.indirect.gather [hbm4b:s1+s16], $0x80, s9, s16, $0xb8;
	[tilespmem:$0x1E400] =	vst v63  }
0xa4: {  	_ =	swait.ge [sflag:s22], $0x4000  }
0xa5: {  	[sflag:s22] =	ssyncset.done $0x0  }
0xa6: {  	s10 =	rddreg [dreg:$0x9];
	[sflag:s22] =	ssyncadd.s32 $0xFFFFC000  }
0xa7: {  	[hbm4b:s10+s3] =	stream.linear.scatter [tilespmem:s30], [sflag:$0xC], $0x4000, $0x38;
	[tilespmem:$0x1E400] =	vst v63  }
0xa8: {  	_ =	swait.ge [sflag:s21], $0x4000  }
0xa9: {  	[sflag:s21] =	ssyncset.done $0x0  }
0xaa: {  	s11 =	rddreg [dreg:$0xa];
	[sflag:s21] =	ssyncadd.s32 $0xFFFFC000  }
0xab: {  	[hbm4b:s11+s3] =	stream.linear.scatter [tilespmem:s17], [sflag:$0x7], $0x4000, $0x38;
	[tilespmem:$0x1E400] =	vst v63  }
0xac: {  	_ =	swait.ge [sflag:s24], $0x4000  }
0xad: {  	[sflag:s24] =	ssyncset.done $0x0  }
0xae: {  	[sflag:s24] =	ssyncadd.s32 $0xFFFFC000  }
0xaf: {  	[hbm4b:s12+s3] =	stream.linear.scatter [tilespmem:s18], [sflag:$0x8], $0x4000, $0x38;
	[tilespmem:$0x1E400] =	vst v63  }
0xb0: {  	_ =	swait.ge [sflag:s25], $0x4000  }
0xb1: {  	[sflag:s25] =	ssyncset.done $0x0  }
0xb2: {  	[sflag:s25] =	ssyncadd.s32 $0xFFFFC000  }
0xb3: {  	_ =	swait.ge [sflag:s29], $0x4000  }
0xb4: {  	[sflag:s29] =	ssyncset.done $0x0  }
0xb5: {  	[sflag:s29] =	ssyncadd.s32 $0xFFFFC000  }
0xb6: {  	_ =	swait.ge [sflag:s4], $0x4000  }
0xb7: {  	[sflag:s4] =	ssyncset.done $0x0  }
0xb8: {  	[sflag:s4] =	ssyncadd.s32 $0xFFFFC000  }
0xb9: {  	_ =	swait.ge [sflag:s6], $0x4000  }
0xba: {  	[sflag:s6] =	ssyncset.done $0x0  }
0xbb: {  	s7 =	sadd.s32 $0x1, s7;
	[sflag:s6] =	ssyncadd.s32 $0xFFFFC000  }
0xbc: {  	p0 =	sne.s32 s7, s13;
	_ =	swait.ge [sflag:s2], $0x4000  }
.Ltmp1:
0xbd: {  	[sflag:s2] =	ssyncset.done $0x0;
	(pc) =	sbr.rel @p0 .LBB2_1-.Ltmp1, $4  }
0xbe: {  	[sflag:s2] =	ssyncadd.s32 $0xFFFFC000  }
0xbf: {  	_ =	swait.ge [sflag:s19], $0x4000  }
0xc0: {  	[sflag:s19] =	ssyncset.done $0x0  }
0xc1: {  	[sflag:s19] =	ssyncadd.s32 $0xFFFFC000  }
0xc2: {  	_ =	sfence.sel $0x180000  }
0xc3: {  	[bflag:$0x0] =	sbarrier.arrive $0xFFFF  }
0xc4: {  	_ =	strace $0x90000047  }
0xc5: {  	s0 =	stileid.u32;
	[bflag:$0x2] =	sbarrier.arrive $0xFFFF  }
0xc6: {  	p0 =	sne.s32 s0, $0x0;
	s0 =	rddreg [dreg:$0x3]  }
0xc7: {  	s0 =	sadd.s32 @!p0 $0x100000, s0  }
0xc8: {  	[sflag:s0] =	ssyncadd.tile.s32 @!p0 $0x1;
	_ =	shalt  }
.Lfunc_end2:
_tile_overlayer_lowered:
.L_overlay_start_2:
0xc9: {  	(tag) =	ssettag $0x2  }
0xca: {  	s0 =	rddreg [dreg:$0x0];
	s2 =	stileid.u32  }
0xcb: {  	s1 =	rddreg [dreg:$0x1];
	p0 =	sne.s32 s2, $0x0  }
0xcc: {  	s3 =	rddreg [dreg:$0x2];
	[bflag:$0x3] =	sbarrier.arrive $0xFFFF;
	s2 =	simm.s32 @!p0 $0x1C0D  }
0xcd: {  	[timem:s3], [sflag:s2] =	dma.local @!p0 [hbm:s0], s1  }
0xce: {  	s0 =	simm.s32 @!p0 $0xD  }
0xcf: {  	_ =	swait.ge @!p0 [sflag:s0], s1  }
0xd0: {  	s1 =	ssub.s32 @!p0 $0x0, s1;
	[sflag:s0] =	ssyncset.done @!p0 $0x0  }
0xd1: {  	[sflag:s0] =	ssyncadd.s32 @!p0 s1  }
0xd2: {  	[bflag:$0x3] =	sbarrier.arrive $0xFFFF  }
0xd3: {  	_ =	shalt  }

</sc_bundles>
